<compile_context>
chip_gen: v7x
topology: tpu7x:2x2x1
jax: 0.10.2.dev20260603
libtpu: 0.0.44.dev20260713+nightly
codegen_flags: <defaults>
</compile_context>

<pallas_src>
import functools

import jax
import jax.numpy as jnp
from jax import lax
from jax.experimental import pallas as pl
from jax.experimental.pallas import tpu as pltpu
from jax.experimental.pallas import tpu_sc as plsc

_N = 16384
_C = 1000
_NC = 2
_NS = 16
_NW = _NC * _NS
_BW = _N // _NW
_NCH = _BW // 128

_mesh = plsc.VectorSubcoreMesh(core_axis_name="c", subcore_axis_name="s")


@functools.partial(
    pl.kernel,
    mesh=_mesh,
    out_type=jax.ShapeDtypeStruct((_NW, _NCH, 128), jnp.float32),
    scratch_types=[
        pltpu.VMEM((_BW,), jnp.int32),
        pltpu.VMEM((_NCH, 128), jnp.int32),
        pltpu.VMEM((_NCH, 128), jnp.float32),
        pltpu.SemaphoreType.DMA,
    ],
)
def _sc_gather(logits_hbm, y_hbm, out_hbm, y_v, idx_v, val_v, sem):
    wid = lax.axis_index("s") * _NC + lax.axis_index("c")
    base = wid * _BW
    pltpu.sync_copy(y_hbm.at[pl.ds(base, _BW)], y_v)
    for j in range(_NCH):
        for t in range(8):
            s = j * 128 + t * 16
            rows = base + s + lax.iota(jnp.int32, 16)
            idx_v[j, pl.ds(t * 16, 16)] = rows * _C + y_v[pl.ds(s, 16)]
    copies = [
        pltpu.async_copy(logits_hbm.at[idx_v.at[j]], val_v.at[j], sem)
        for j in range(_NCH)
    ]
    for cp in copies:
        cp.wait()
    pltpu.sync_copy(val_v, out_hbm.at[wid])


def kernel(logits, y):
    out = _sc_gather(logits.reshape(_N * _C), y.astype(jnp.int32))
    return out.reshape(_N)

# --- scband reference (transcript-rebuilt; emitter-appended) ---
"""Pipeline reference for scband-identity-loss-81939386073336 (READ-ONLY COPY).

The authoritative reference and input builder live on the scoring server;
editing this copy changes nothing except your own understanding.
"""

import jax, jax.numpy as jnp
import numpy as np

N = 16384
C = 1000

def setup_inputs(seed: int = 0) -> dict:
    key = jax.random.key(seed)
    k1, k2 = jax.random.split(key)
    logits = jax.random.normal(k1, (N, C), dtype=jnp.float32)
    y = jax.random.randint(k2, (N,), 0, C, dtype=jnp.int64)
    return {"logits": logits, "y": y}

def reference(logits, y):
    # IdentityLoss.forward: return the y-th component of the logits per row
    # torch: logits.gather(1, y.unsqueeze(1)).flatten()
    curr_loss = jnp.take_along_axis(logits, y[:, None], axis=1).reshape(-1)
    return curr_loss

if __name__ == "__main__":
    import jax
    _d = setup_inputs()
    print(jax.jit(kernel)(*tuple(_d.values())))

</pallas_src>

<mosaic_0001>
#map = affine_map<(d0, d1) -> (0)>
#map1 = affine_map<(d0, d1) -> (0, 0, 0)>
module attributes {stable_mosaic.version = 14 : i64} {
  func.func @_sc_gather(%arg0: i32, %arg1: i32, %arg2: memref<16384000xf32, #tpu.memory_space<hbm>>, %arg3: memref<16384xi32, #tpu.memory_space<hbm>>, %arg4: memref<32x4x128xf32, #tpu.memory_space<hbm>>, %arg5: memref<512xi32, #tpu.memory_space<vmem>>, %arg6: memref<4x128xi32, #tpu.memory_space<vmem>>, %arg7: memref<4x128xf32, #tpu.memory_space<vmem>>, %arg8: memref<!tpu.dma_semaphore, #tpu.memory_space<semaphore_mem>>) attributes {dimension_semantics = [#tpu.dimension_semantics<core_parallel>, #tpu.dimension_semantics<subcore_parallel>], iteration_bounds = array<i64: 2, 16>, scalar_prefetch = 0 : i64, scratch_operands = 4 : i64, tpu.core_type = #tpu.core_type<sc_vector_subcore>, window_params = [{transform_indices = #map}, {transform_indices = #map}, {transform_indices = #map1}]} {
    %mul3A = arith.constant 2 : i32
    %mul3A_0 = arith.muli %arg1, %mul3A : i32
    %add3A = arith.addi %mul3A_0, %arg0 : i32
    %mul3A_1 = arith.constant 512 : i32
    %mul3A_2 = arith.muli %add3A, %mul3A_1 : i32
    "tpu.region"() ({
      %run_scoped3A = tpu.sem_alloc : memref<!tpu.dma_semaphore, #tpu.memory_space<semaphore_mem>>
      %dma_start3A_654 = tpu.memref_slice %arg3[%mul3A_2] : memref<16384xi32, #tpu.memory_space<hbm>> -> memref<512xi32, #tpu.memory_space<hbm>>
      %dma_start3A_655 = tpu.memref_slice %arg3[%mul3A_2] : memref<16384xi32, #tpu.memory_space<hbm>> -> memref<512xi32, #tpu.memory_space<hbm>>
      tpu.enqueue_dma source(%dma_start3A_655 : memref<512xi32, #tpu.memory_space<hbm>>) target(%arg5 : memref<512xi32, #tpu.memory_space<vmem>>) target_semaphore(%run_scoped3A : memref<!tpu.dma_semaphore, #tpu.memory_space<semaphore_mem>>)
      %dma_wait3A_656 = tpu.memref_slice %arg3[%mul3A_2] : memref<16384xi32, #tpu.memory_space<hbm>> -> memref<512xi32, #tpu.memory_space<hbm>>
      %dma_wait3A_657 = tpu.memref_slice %arg3[%mul3A_2] : memref<16384xi32, #tpu.memory_space<hbm>> -> memref<512xi32, #tpu.memory_space<hbm>>
      tpu.wait_dma2 semaphore(%run_scoped3A : memref<!tpu.dma_semaphore, #tpu.memory_space<semaphore_mem>>) src(%dma_wait3A_657 : memref<512xi32, #tpu.memory_space<hbm>>) dst(%arg5 : memref<512xi32, #tpu.memory_space<vmem>>)
      tpu.yield
    }) : () -> ()
    %add3A_3 = arith.constant 0 : i32
    %add3A_4 = arith.addi %mul3A_2, %add3A_3 : i32
    %iota3A = tpu.iota {dimensions = array<i32: 0>} : vector<16xi32>
    %add3A_5 = vector.broadcast %add3A_4 : i32 to vector<16xi32>
    %add3A_6 = arith.addi %add3A_5, %iota3A : vector<16xi32>
    %mul3A_7 = arith.constant 1000 : i32
    %mul3A_8 = vector.broadcast %mul3A_7 : i32 to vector<16xi32>
    %mul3A_9 = arith.muli %add3A_6, %mul3A_8 : vector<16xi32>
    %get3A = arith.constant 0 : index
    %get3A_10 = tpu.vector_load %arg5[%get3A] {strides = array<i32>} : memref<512xi32, #tpu.memory_space<vmem>>, vector<16xi32>,
    %get3A_11 = vector.shape_cast %get3A_10 : vector<16xi32> to vector<16xi32>
    %add3A_12 = arith.addi %mul3A_9, %get3A_11 : vector<16xi32>
    %swap3A = arith.constant 0 : i32
    %swap3A_13 = arith.index_cast %swap3A : i32 to index
    %swap3A_14 = arith.constant 0 : index
    %swap3A_15 = tpu.vector_load %arg6[%swap3A_13, %swap3A_14] {strides = array<i32>} : memref<4x128xi32, #tpu.memory_space<vmem>>, vector<1x16xi32>,
    %swap3A_16 = vector.shape_cast %swap3A_15 : vector<1x16xi32> to vector<16xi32>
    %swap3A_17 = vector.shape_cast %add3A_12 : vector<16xi32> to vector<1x16xi32>
    tpu.vector_store %arg6[%swap3A_13, %swap3A_14], %swap3A_17 {strides = array<i32>} : memref<4x128xi32, #tpu.memory_space<vmem>>, vector<1x16xi32>,
    %add3A_18 = arith.constant 16 : i32
    %add3A_19 = arith.addi %mul3A_2, %add3A_18 : i32
    %iota3A_20 = tpu.iota {dimensions = array<i32: 0>} : vector<16xi32>
    %add3A_21 = vector.broadcast %add3A_19 : i32 to vector<16xi32>
    %add3A_22 = arith.addi %add3A_21, %iota3A_20 : vector<16xi32>
    %mul3A_23 = arith.constant 1000 : i32
    %mul3A_24 = vector.broadcast %mul3A_23 : i32 to vector<16xi32>
    %mul3A_25 = arith.muli %add3A_22, %mul3A_24 : vector<16xi32>
    %get3A_26 = arith.constant 16 : index
    %get3A_27 = tpu.vector_load %arg5[%get3A_26] {strides = array<i32>} : memref<512xi32, #tpu.memory_space<vmem>>, vector<16xi32>,
    %get3A_28 = vector.shape_cast %get3A_27 : vector<16xi32> to vector<16xi32>
    %add3A_29 = arith.addi %mul3A_25, %get3A_28 : vector<16xi32>
    %swap3A_30 = arith.constant 0 : i32
    %swap3A_31 = arith.index_cast %swap3A_30 : i32 to index
    %swap3A_32 = arith.constant 16 : index
    %swap3A_33 = tpu.vector_load %arg6[%swap3A_31, %swap3A_32] {strides = array<i32>} : memref<4x128xi32, #tpu.memory_space<vmem>>, vector<1x16xi32>,
    %swap3A_34 = vector.shape_cast %swap3A_33 : vector<1x16xi32> to vector<16xi32>
    %swap3A_35 = vector.shape_cast %add3A_29 : vector<16xi32> to vector<1x16xi32>
    tpu.vector_store %arg6[%swap3A_31, %swap3A_32], %swap3A_35 {strides = array<i32>} : memref<4x128xi32, #tpu.memory_space<vmem>>, vector<1x16xi32>,
    %add3A_36 = arith.constant 32 : i32
    %add3A_37 = arith.addi %mul3A_2, %add3A_36 : i32
    %iota3A_38 = tpu.iota {dimensions = array<i32: 0>} : vector<16xi32>
    %add3A_39 = vector.broadcast %add3A_37 : i32 to vector<16xi32>
    %add3A_40 = arith.addi %add3A_39, %iota3A_38 : vector<16xi32>
    %mul3A_41 = arith.constant 1000 : i32
    %mul3A_42 = vector.broadcast %mul3A_41 : i32 to vector<16xi32>
    %mul3A_43 = arith.muli %add3A_40, %mul3A_42 : vector<16xi32>
    %get3A_44 = arith.constant 32 : index
    %get3A_45 = tpu.vector_load %arg5[%get3A_44] {strides = array<i32>} : memref<512xi32, #tpu.memory_space<vmem>>, vector<16xi32>,
    %get3A_46 = vector.shape_cast %get3A_45 : vector<16xi32> to vector<16xi32>
    %add3A_47 = arith.addi %mul3A_43, %get3A_46 : vector<16xi32>
    %swap3A_48 = arith.constant 0 : i32
    %swap3A_49 = arith.index_cast %swap3A_48 : i32 to index
    %swap3A_50 = arith.constant 32 : index
    %swap3A_51 = tpu.vector_load %arg6[%swap3A_49, %swap3A_50] {strides = array<i32>} : memref<4x128xi32, #tpu.memory_space<vmem>>, vector<1x16xi32>,
    %swap3A_52 = vector.shape_cast %swap3A_51 : vector<1x16xi32> to vector<16xi32>
    %swap3A_53 = vector.shape_cast %add3A_47 : vector<16xi32> to vector<1x16xi32>
    tpu.vector_store %arg6[%swap3A_49, %swap3A_50], %swap3A_53 {strides = array<i32>} : memref<4x128xi32, #tpu.memory_space<vmem>>, vector<1x16xi32>,
    %add3A_54 = arith.constant 48 : i32
    %add3A_55 = arith.addi %mul3A_2, %add3A_54 : i32
    %iota3A_56 = tpu.iota {dimensions = array<i32: 0>} : vector<16xi32>
    %add3A_57 = vector.broadcast %add3A_55 : i32 to vector<16xi32>
    %add3A_58 = arith.addi %add3A_57, %iota3A_56 : vector<16xi32>
    %mul3A_59 = arith.constant 1000 : i32
    %mul3A_60 = vector.broadcast %mul3A_59 : i32 to vector<16xi32>
    %mul3A_61 = arith.muli %add3A_58, %mul3A_60 : vector<16xi32>
    %get3A_62 = arith.constant 48 : index
    %get3A_63 = tpu.vector_load %arg5[%get3A_62] {strides = array<i32>} : memref<512xi32, #tpu.memory_space<vmem>>, vector<16xi32>,
    %get3A_64 = vector.shape_cast %get3A_63 : vector<16xi32> to vector<16xi32>
    %add3A_65 = arith.addi %mul3A_61, %get3A_64 : vector<16xi32>
    %swap3A_66 = arith.constant 0 : i32
    %swap3A_67 = arith.index_cast %swap3A_66 : i32 to index
    %swap3A_68 = arith.constant 48 : index
    %swap3A_69 = tpu.vector_load %arg6[%swap3A_67, %swap3A_68] {strides = array<i32>} : memref<4x128xi32, #tpu.memory_space<vmem>>, vector<1x16xi32>,
    %swap3A_70 = vector.shape_cast %swap3A_69 : vector<1x16xi32> to vector<16xi32>
    %swap3A_71 = vector.shape_cast %add3A_65 : vector<16xi32> to vector<1x16xi32>
    tpu.vector_store %arg6[%swap3A_67, %swap3A_68], %swap3A_71 {strides = array<i32>} : memref<4x128xi32, #tpu.memory_space<vmem>>, vector<1x16xi32>,
    %add3A_72 = arith.constant 64 : i32
    %add3A_73 = arith.addi %mul3A_2, %add3A_72 : i32
    %iota3A_74 = tpu.iota {dimensions = array<i32: 0>} : vector<16xi32>
    %add3A_75 = vector.broadcast %add3A_73 : i32 to vector<16xi32>
    %add3A_76 = arith.addi %add3A_75, %iota3A_74 : vector<16xi32>
    %mul3A_77 = arith.constant 1000 : i32
    %mul3A_78 = vector.broadcast %mul3A_77 : i32 to vector<16xi32>
    %mul3A_79 = arith.muli %add3A_76, %mul3A_78 : vector<16xi32>
    %get3A_80 = arith.constant 64 : index
    %get3A_81 = tpu.vector_load %arg5[%get3A_80] {strides = array<i32>} : memref<512xi32, #tpu.memory_space<vmem>>, vector<16xi32>,
    %get3A_82 = vector.shape_cast %get3A_81 : vector<16xi32> to vector<16xi32>
    %add3A_83 = arith.addi %mul3A_79, %get3A_82 : vector<16xi32>
    %swap3A_84 = arith.constant 0 : i32
    %swap3A_85 = arith.index_cast %swap3A_84 : i32 to index
    %swap3A_86 = arith.constant 64 : index
    %swap3A_87 = tpu.vector_load %arg6[%swap3A_85, %swap3A_86] {strides = array<i32>} : memref<4x128xi32, #tpu.memory_space<vmem>>, vector<1x16xi32>,
    %swap3A_88 = vector.shape_cast %swap3A_87 : vector<1x16xi32> to vector<16xi32>
    %swap3A_89 = vector.shape_cast %add3A_83 : vector<16xi32> to vector<1x16xi32>
    tpu.vector_store %arg6[%swap3A_85, %swap3A_86], %swap3A_89 {strides = array<i32>} : memref<4x128xi32, #tpu.memory_space<vmem>>, vector<1x16xi32>,
    %add3A_90 = arith.constant 80 : i32
    %add3A_91 = arith.addi %mul3A_2, %add3A_90 : i32
    %iota3A_92 = tpu.iota {dimensions = array<i32: 0>} : vector<16xi32>
    %add3A_93 = vector.broadcast %add3A_91 : i32 to vector<16xi32>
    %add3A_94 = arith.addi %add3A_93, %iota3A_92 : vector<16xi32>
    %mul3A_95 = arith.constant 1000 : i32
    %mul3A_96 = vector.broadcast %mul3A_95 : i32 to vector<16xi32>
    %mul3A_97 = arith.muli %add3A_94, %mul3A_96 : vector<16xi32>
    %get3A_98 = arith.constant 80 : index
    %get3A_99 = tpu.vector_load %arg5[%get3A_98] {strides = array<i32>} : memref<512xi32, #tpu.memory_space<vmem>>, vector<16xi32>,
    %get3A_100 = vector.shape_cast %get3A_99 : vector<16xi32> to vector<16xi32>
    %add3A_101 = arith.addi %mul3A_97, %get3A_100 : vector<16xi32>
    %swap3A_102 = arith.constant 0 : i32
    %swap3A_103 = arith.index_cast %swap3A_102 : i32 to index
    %swap3A_104 = arith.constant 80 : index
    %swap3A_105 = tpu.vector_load %arg6[%swap3A_103, %swap3A_104] {strides = array<i32>} : memref<4x128xi32, #tpu.memory_space<vmem>>, vector<1x16xi32>,
    %swap3A_106 = vector.shape_cast %swap3A_105 : vector<1x16xi32> to vector<16xi32>
    %swap3A_107 = vector.shape_cast %add3A_101 : vector<16xi32> to vector<1x16xi32>
    tpu.vector_store %arg6[%swap3A_103, %swap3A_104], %swap3A_107 {strides = array<i32>} : memref<4x128xi32, #tpu.memory_space<vmem>>, vector<1x16xi32>,
    %add3A_108 = arith.constant 96 : i32
    %add3A_109 = arith.addi %mul3A_2, %add3A_108 : i32
    %iota3A_110 = tpu.iota {dimensions = array<i32: 0>} : vector<16xi32>
    %add3A_111 = vector.broadcast %add3A_109 : i32 to vector<16xi32>
    %add3A_112 = arith.addi %add3A_111, %iota3A_110 : vector<16xi32>
    %mul3A_113 = arith.constant 1000 : i32
    %mul3A_114 = vector.broadcast %mul3A_113 : i32 to vector<16xi32>
    %mul3A_115 = arith.muli %add3A_112, %mul3A_114 : vector<16xi32>
    %get3A_116 = arith.constant 96 : index
    %get3A_117 = tpu.vector_load %arg5[%get3A_116] {strides = array<i32>} : memref<512xi32, #tpu.memory_space<vmem>>, vector<16xi32>,
    %get3A_118 = vector.shape_cast %get3A_117 : vector<16xi32> to vector<16xi32>
    %add3A_119 = arith.addi %mul3A_115, %get3A_118 : vector<16xi32>
    %swap3A_120 = arith.constant 0 : i32
    %swap3A_121 = arith.index_cast %swap3A_120 : i32 to index
    %swap3A_122 = arith.constant 96 : index
    %swap3A_123 = tpu.vector_load %arg6[%swap3A_121, %swap3A_122] {strides = array<i32>} : memref<4x128xi32, #tpu.memory_space<vmem>>, vector<1x16xi32>,
    %swap3A_124 = vector.shape_cast %swap3A_123 : vector<1x16xi32> to vector<16xi32>
    %swap3A_125 = vector.shape_cast %add3A_119 : vector<16xi32> to vector<1x16xi32>
    tpu.vector_store %arg6[%swap3A_121, %swap3A_122], %swap3A_125 {strides = array<i32>} : memref<4x128xi32, #tpu.memory_space<vmem>>, vector<1x16xi32>,
    %add3A_126 = arith.constant 112 : i32
    %add3A_127 = arith.addi %mul3A_2, %add3A_126 : i32
    %iota3A_128 = tpu.iota {dimensions = array<i32: 0>} : vector<16xi32>
    %add3A_129 = vector.broadcast %add3A_127 : i32 to vector<16xi32>
    %add3A_130 = arith.addi %add3A_129, %iota3A_128 : vector<16xi32>
    %mul3A_131 = arith.constant 1000 : i32
    %mul3A_132 = vector.broadcast %mul3A_131 : i32 to vector<16xi32>
    %mul3A_133 = arith.muli %add3A_130, %mul3A_132 : vector<16xi32>
    %get3A_134 = arith.constant 112 : index
    %get3A_135 = tpu.vector_load %arg5[%get3A_134] {strides = array<i32>} : memref<512xi32, #tpu.memory_space<vmem>>, vector<16xi32>,
    %get3A_136 = vector.shape_cast %get3A_135 : vector<16xi32> to vector<16xi32>
    %add3A_137 = arith.addi %mul3A_133, %get3A_136 : vector<16xi32>
    %swap3A_138 = arith.constant 0 : i32
    %swap3A_139 = arith.index_cast %swap3A_138 : i32 to index
    %swap3A_140 = arith.constant 112 : index
    %swap3A_141 = tpu.vector_load %arg6[%swap3A_139, %swap3A_140] {strides = array<i32>} : memref<4x128xi32, #tpu.memory_space<vmem>>, vector<1x16xi32>,
    %swap3A_142 = vector.shape_cast %swap3A_141 : vector<1x16xi32> to vector<16xi32>
    %swap3A_143 = vector.shape_cast %add3A_137 : vector<16xi32> to vector<1x16xi32>
    tpu.vector_store %arg6[%swap3A_139, %swap3A_140], %swap3A_143 {strides = array<i32>} : memref<4x128xi32, #tpu.memory_space<vmem>>, vector<1x16xi32>,
    %add3A_144 = arith.constant 128 : i32
    %add3A_145 = arith.addi %mul3A_2, %add3A_144 : i32
    %iota3A_146 = tpu.iota {dimensions = array<i32: 0>} : vector<16xi32>
    %add3A_147 = vector.broadcast %add3A_145 : i32 to vector<16xi32>
    %add3A_148 = arith.addi %add3A_147, %iota3A_146 : vector<16xi32>
    %mul3A_149 = arith.constant 1000 : i32
    %mul3A_150 = vector.broadcast %mul3A_149 : i32 to vector<16xi32>
    %mul3A_151 = arith.muli %add3A_148, %mul3A_150 : vector<16xi32>
    %get3A_152 = arith.constant 128 : index
    %get3A_153 = tpu.vector_load %arg5[%get3A_152] {strides = array<i32>} : memref<512xi32, #tpu.memory_space<vmem>>, vector<16xi32>,
    %get3A_154 = vector.shape_cast %get3A_153 : vector<16xi32> to vector<16xi32>
    %add3A_155 = arith.addi %mul3A_151, %get3A_154 : vector<16xi32>
    %swap3A_156 = arith.constant 1 : i32
    %swap3A_157 = arith.index_cast %swap3A_156 : i32 to index
    %swap3A_158 = arith.constant 0 : index
    %swap3A_159 = tpu.vector_load %arg6[%swap3A_157, %swap3A_158] {strides = array<i32>} : memref<4x128xi32, #tpu.memory_space<vmem>>, vector<1x16xi32>,
    %swap3A_160 = vector.shape_cast %swap3A_159 : vector<1x16xi32> to vector<16xi32>
    %swap3A_161 = vector.shape_cast %add3A_155 : vector<16xi32> to vector<1x16xi32>
    tpu.vector_store %arg6[%swap3A_157, %swap3A_158], %swap3A_161 {strides = array<i32>} : memref<4x128xi32, #tpu.memory_space<vmem>>, vector<1x16xi32>,
    %add3A_162 = arith.constant 144 : i32
    %add3A_163 = arith.addi %mul3A_2, %add3A_162 : i32
    %iota3A_164 = tpu.iota {dimensions = array<i32: 0>} : vector<16xi32>
    %add3A_165 = vector.broadcast %add3A_163 : i32 to vector<16xi32>
    %add3A_166 = arith.addi %add3A_165, %iota3A_164 : vector<16xi32>
    %mul3A_167 = arith.constant 1000 : i32
    %mul3A_168 = vector.broadcast %mul3A_167 : i32 to vector<16xi32>
    %mul3A_169 = arith.muli %add3A_166, %mul3A_168 : vector<16xi32>
    %get3A_170 = arith.constant 144 : index
    %get3A_171 = tpu.vector_load %arg5[%get3A_170] {strides = array<i32>} : memref<512xi32, #tpu.memory_space<vmem>>, vector<16xi32>,
    %get3A_172 = vector.shape_cast %get3A_171 : vector<16xi32> to vector<16xi32>
    %add3A_173 = arith.addi %mul3A_169, %get3A_172 : vector<16xi32>
    %swap3A_174 = arith.constant 1 : i32
    %swap3A_175 = arith.index_cast %swap3A_174 : i32 to index
    %swap3A_176 = arith.constant 16 : index
    %swap3A_177 = tpu.vector_load %arg6[%swap3A_175, %swap3A_176] {strides = array<i32>} : memref<4x128xi32, #tpu.memory_space<vmem>>, vector<1x16xi32>,
    %swap3A_178 = vector.shape_cast %swap3A_177 : vector<1x16xi32> to vector<16xi32>
    %swap3A_179 = vector.shape_cast %add3A_173 : vector<16xi32> to vector<1x16xi32>
    tpu.vector_store %arg6[%swap3A_175, %swap3A_176], %swap3A_179 {strides = array<i32>} : memref<4x128xi32, #tpu.memory_space<vmem>>, vector<1x16xi32>,
    %add3A_180 = arith.constant 160 : i32
    %add3A_181 = arith.addi %mul3A_2, %add3A_180 : i32
    %iota3A_182 = tpu.iota {dimensions = array<i32: 0>} : vector<16xi32>
    %add3A_183 = vector.broadcast %add3A_181 : i32 to vector<16xi32>
    %add3A_184 = arith.addi %add3A_183, %iota3A_182 : vector<16xi32>
    %mul3A_185 = arith.constant 1000 : i32
    %mul3A_186 = vector.broadcast %mul3A_185 : i32 to vector<16xi32>
    %mul3A_187 = arith.muli %add3A_184, %mul3A_186 : vector<16xi32>
    %get3A_188 = arith.constant 160 : index
    %get3A_189 = tpu.vector_load %arg5[%get3A_188] {strides = array<i32>} : memref<512xi32, #tpu.memory_space<vmem>>, vector<16xi32>,
    %get3A_190 = vector.shape_cast %get3A_189 : vector<16xi32> to vector<16xi32>
    %add3A_191 = arith.addi %mul3A_187, %get3A_190 : vector<16xi32>
    %swap3A_192 = arith.constant 1 : i32
    %swap3A_193 = arith.index_cast %swap3A_192 : i32 to index
    %swap3A_194 = arith.constant 32 : index
    %swap3A_195 = tpu.vector_load %arg6[%swap3A_193, %swap3A_194] {strides = array<i32>} : memref<4x128xi32, #tpu.memory_space<vmem>>, vector<1x16xi32>,
    %swap3A_196 = vector.shape_cast %swap3A_195 : vector<1x16xi32> to vector<16xi32>
    %swap3A_197 = vector.shape_cast %add3A_191 : vector<16xi32> to vector<1x16xi32>
    tpu.vector_store %arg6[%swap3A_193, %swap3A_194], %swap3A_197 {strides = array<i32>} : memref<4x128xi32, #tpu.memory_space<vmem>>, vector<1x16xi32>,
    %add3A_198 = arith.constant 176 : i32
    %add3A_199 = arith.addi %mul3A_2, %add3A_198 : i32
    %iota3A_200 = tpu.iota {dimensions = array<i32: 0>} : vector<16xi32>
    %add3A_201 = vector.broadcast %add3A_199 : i32 to vector<16xi32>
    %add3A_202 = arith.addi %add3A_201, %iota3A_200 : vector<16xi32>
    %mul3A_203 = arith.constant 1000 : i32
    %mul3A_204 = vector.broadcast %mul3A_203 : i32 to vector<16xi32>
    %mul3A_205 = arith.muli %add3A_202, %mul3A_204 : vector<16xi32>
    %get3A_206 = arith.constant 176 : index
    %get3A_207 = tpu.vector_load %arg5[%get3A_206] {strides = array<i32>} : memref<512xi32, #tpu.memory_space<vmem>>, vector<16xi32>,
    %get3A_208 = vector.shape_cast %get3A_207 : vector<16xi32> to vector<16xi32>
    %add3A_209 = arith.addi %mul3A_205, %get3A_208 : vector<16xi32>
    %swap3A_210 = arith.constant 1 : i32
    %swap3A_211 = arith.index_cast %swap3A_210 : i32 to index
    %swap3A_212 = arith.constant 48 : index
    %swap3A_213 = tpu.vector_load %arg6[%swap3A_211, %swap3A_212] {strides = array<i32>} : memref<4x128xi32, #tpu.memory_space<vmem>>, vector<1x16xi32>,
    %swap3A_214 = vector.shape_cast %swap3A_213 : vector<1x16xi32> to vector<16xi32>
    %swap3A_215 = vector.shape_cast %add3A_209 : vector<16xi32> to vector<1x16xi32>
    tpu.vector_store %arg6[%swap3A_211, %swap3A_212], %swap3A_215 {strides = array<i32>} : memref<4x128xi32, #tpu.memory_space<vmem>>, vector<1x16xi32>,
    %add3A_216 = arith.constant 192 : i32
    %add3A_217 = arith.addi %mul3A_2, %add3A_216 : i32
    %iota3A_218 = tpu.iota {dimensions = array<i32: 0>} : vector<16xi32>
    %add3A_219 = vector.broadcast %add3A_217 : i32 to vector<16xi32>
    %add3A_220 = arith.addi %add3A_219, %iota3A_218 : vector<16xi32>
    %mul3A_221 = arith.constant 1000 : i32
    %mul3A_222 = vector.broadcast %mul3A_221 : i32 to vector<16xi32>
    %mul3A_223 = arith.muli %add3A_220, %mul3A_222 : vector<16xi32>
    %get3A_224 = arith.constant 192 : index
    %get3A_225 = tpu.vector_load %arg5[%get3A_224] {strides = array<i32>} : memref<512xi32, #tpu.memory_space<vmem>>, vector<16xi32>,
    %get3A_226 = vector.shape_cast %get3A_225 : vector<16xi32> to vector<16xi32>
    %add3A_227 = arith.addi %mul3A_223, %get3A_226 : vector<16xi32>
    %swap3A_228 = arith.constant 1 : i32
    %swap3A_229 = arith.index_cast %swap3A_228 : i32 to index
    %swap3A_230 = arith.constant 64 : index
    %swap3A_231 = tpu.vector_load %arg6[%swap3A_229, %swap3A_230] {strides = array<i32>} : memref<4x128xi32, #tpu.memory_space<vmem>>, vector<1x16xi32>,
    %swap3A_232 = vector.shape_cast %swap3A_231 : vector<1x16xi32> to vector<16xi32>
    %swap3A_233 = vector.shape_cast %add3A_227 : vector<16xi32> to vector<1x16xi32>
    tpu.vector_store %arg6[%swap3A_229, %swap3A_230], %swap3A_233 {strides = array<i32>} : memref<4x128xi32, #tpu.memory_space<vmem>>, vector<1x16xi32>,
    %add3A_234 = arith.constant 208 : i32
    %add3A_235 = arith.addi %mul3A_2, %add3A_234 : i32
    %iota3A_236 = tpu.iota {dimensions = array<i32: 0>} : vector<16xi32>
    %add3A_237 = vector.broadcast %add3A_235 : i32 to vector<16xi32>
    %add3A_238 = arith.addi %add3A_237, %iota3A_236 : vector<16xi32>
    %mul3A_239 = arith.constant 1000 : i32
    %mul3A_240 = vector.broadcast %mul3A_239 : i32 to vector<16xi32>
    %mul3A_241 = arith.muli %add3A_238, %mul3A_240 : vector<16xi32>
    %get3A_242 = arith.constant 208 : index
    %get3A_243 = tpu.vector_load %arg5[%get3A_242] {strides = array<i32>} : memref<512xi32, #tpu.memory_space<vmem>>, vector<16xi32>,
    %get3A_244 = vector.shape_cast %get3A_243 : vector<16xi32> to vector<16xi32>
    %add3A_245 = arith.addi %mul3A_241, %get3A_244 : vector<16xi32>
    %swap3A_246 = arith.constant 1 : i32
    %swap3A_247 = arith.index_cast %swap3A_246 : i32 to index
    %swap3A_248 = arith.constant 80 : index
    %swap3A_249 = tpu.vector_load %arg6[%swap3A_247, %swap3A_248] {strides = array<i32>} : memref<4x128xi32, #tpu.memory_space<vmem>>, vector<1x16xi32>,
    %swap3A_250 = vector.shape_cast %swap3A_249 : vector<1x16xi32> to vector<16xi32>
    %swap3A_251 = vector.shape_cast %add3A_245 : vector<16xi32> to vector<1x16xi32>
    tpu.vector_store %arg6[%swap3A_247, %swap3A_248], %swap3A_251 {strides = array<i32>} : memref<4x128xi32, #tpu.memory_space<vmem>>, vector<1x16xi32>,
    %add3A_252 = arith.constant 224 : i32
    %add3A_253 = arith.addi %mul3A_2, %add3A_252 : i32
    %iota3A_254 = tpu.iota {dimensions = array<i32: 0>} : vector<16xi32>
    %add3A_255 = vector.broadcast %add3A_253 : i32 to vector<16xi32>
    %add3A_256 = arith.addi %add3A_255, %iota3A_254 : vector<16xi32>
    %mul3A_257 = arith.constant 1000 : i32
    %mul3A_258 = vector.broadcast %mul3A_257 : i32 to vector<16xi32>
    %mul3A_259 = arith.muli %add3A_256, %mul3A_258 : vector<16xi32>
    %get3A_260 = arith.constant 224 : index
    %get3A_261 = tpu.vector_load %arg5[%get3A_260] {strides = array<i32>} : memref<512xi32, #tpu.memory_space<vmem>>, vector<16xi32>,
    %get3A_262 = vector.shape_cast %get3A_261 : vector<16xi32> to vector<16xi32>
    %add3A_263 = arith.addi %mul3A_259, %get3A_262 : vector<16xi32>
    %swap3A_264 = arith.constant 1 : i32
    %swap3A_265 = arith.index_cast %swap3A_264 : i32 to index
    %swap3A_266 = arith.constant 96 : index
    %swap3A_267 = tpu.vector_load %arg6[%swap3A_265, %swap3A_266] {strides = array<i32>} : memref<4x128xi32, #tpu.memory_space<vmem>>, vector<1x16xi32>,
    %swap3A_268 = vector.shape_cast %swap3A_267 : vector<1x16xi32> to vector<16xi32>
    %swap3A_269 = vector.shape_cast %add3A_263 : vector<16xi32> to vector<1x16xi32>
    tpu.vector_store %arg6[%swap3A_265, %swap3A_266], %swap3A_269 {strides = array<i32>} : memref<4x128xi32, #tpu.memory_space<vmem>>, vector<1x16xi32>,
    %add3A_270 = arith.constant 240 : i32
    %add3A_271 = arith.addi %mul3A_2, %add3A_270 : i32
    %iota3A_272 = tpu.iota {dimensions = array<i32: 0>} : vector<16xi32>
    %add3A_273 = vector.broadcast %add3A_271 : i32 to vector<16xi32>
    %add3A_274 = arith.addi %add3A_273, %iota3A_272 : vector<16xi32>
    %mul3A_275 = arith.constant 1000 : i32
    %mul3A_276 = vector.broadcast %mul3A_275 : i32 to vector<16xi32>
    %mul3A_277 = arith.muli %add3A_274, %mul3A_276 : vector<16xi32>
    %get3A_278 = arith.constant 240 : index
    %get3A_279 = tpu.vector_load %arg5[%get3A_278] {strides = array<i32>} : memref<512xi32, #tpu.memory_space<vmem>>, vector<16xi32>,
    %get3A_280 = vector.shape_cast %get3A_279 : vector<16xi32> to vector<16xi32>
    %add3A_281 = arith.addi %mul3A_277, %get3A_280 : vector<16xi32>
    %swap3A_282 = arith.constant 1 : i32
    %swap3A_283 = arith.index_cast %swap3A_282 : i32 to index
    %swap3A_284 = arith.constant 112 : index
    %swap3A_285 = tpu.vector_load %arg6[%swap3A_283, %swap3A_284] {strides = array<i32>} : memref<4x128xi32, #tpu.memory_space<vmem>>, vector<1x16xi32>,
    %swap3A_286 = vector.shape_cast %swap3A_285 : vector<1x16xi32> to vector<16xi32>
    %swap3A_287 = vector.shape_cast %add3A_281 : vector<16xi32> to vector<1x16xi32>
    tpu.vector_store %arg6[%swap3A_283, %swap3A_284], %swap3A_287 {strides = array<i32>} : memref<4x128xi32, #tpu.memory_space<vmem>>, vector<1x16xi32>,
    %add3A_288 = arith.constant 256 : i32
    %add3A_289 = arith.addi %mul3A_2, %add3A_288 : i32
    %iota3A_290 = tpu.iota {dimensions = array<i32: 0>} : vector<16xi32>
    %add3A_291 = vector.broadcast %add3A_289 : i32 to vector<16xi32>
    %add3A_292 = arith.addi %add3A_291, %iota3A_290 : vector<16xi32>
    %mul3A_293 = arith.constant 1000 : i32
    %mul3A_294 = vector.broadcast %mul3A_293 : i32 to vector<16xi32>
    %mul3A_295 = arith.muli %add3A_292, %mul3A_294 : vector<16xi32>
    %get3A_296 = arith.constant 256 : index
    %get3A_297 = tpu.vector_load %arg5[%get3A_296] {strides = array<i32>} : memref<512xi32, #tpu.memory_space<vmem>>, vector<16xi32>,
    %get3A_298 = vector.shape_cast %get3A_297 : vector<16xi32> to vector<16xi32>
    %add3A_299 = arith.addi %mul3A_295, %get3A_298 : vector<16xi32>
    %swap3A_300 = arith.constant 2 : i32
    %swap3A_301 = arith.index_cast %swap3A_300 : i32 to index
    %swap3A_302 = arith.constant 0 : index
    %swap3A_303 = tpu.vector_load %arg6[%swap3A_301, %swap3A_302] {strides = array<i32>} : memref<4x128xi32, #tpu.memory_space<vmem>>, vector<1x16xi32>,
    %swap3A_304 = vector.shape_cast %swap3A_303 : vector<1x16xi32> to vector<16xi32>
    %swap3A_305 = vector.shape_cast %add3A_299 : vector<16xi32> to vector<1x16xi32>
    tpu.vector_store %arg6[%swap3A_301, %swap3A_302], %swap3A_305 {strides = array<i32>} : memref<4x128xi32, #tpu.memory_space<vmem>>, vector<1x16xi32>,
    %add3A_306 = arith.constant 272 : i32
    %add3A_307 = arith.addi %mul3A_2, %add3A_306 : i32
    %iota3A_308 = tpu.iota {dimensions = array<i32: 0>} : vector<16xi32>
    %add3A_309 = vector.broadcast %add3A_307 : i32 to vector<16xi32>
    %add3A_310 = arith.addi %add3A_309, %iota3A_308 : vector<16xi32>
    %mul3A_311 = arith.constant 1000 : i32
    %mul3A_312 = vector.broadcast %mul3A_311 : i32 to vector<16xi32>
    %mul3A_313 = arith.muli %add3A_310, %mul3A_312 : vector<16xi32>
    %get3A_314 = arith.constant 272 : index
    %get3A_315 = tpu.vector_load %arg5[%get3A_314] {strides = array<i32>} : memref<512xi32, #tpu.memory_space<vmem>>, vector<16xi32>,
    %get3A_316 = vector.shape_cast %get3A_315 : vector<16xi32> to vector<16xi32>
    %add3A_317 = arith.addi %mul3A_313, %get3A_316 : vector<16xi32>
    %swap3A_318 = arith.constant 2 : i32
    %swap3A_319 = arith.index_cast %swap3A_318 : i32 to index
    %swap3A_320 = arith.constant 16 : index
    %swap3A_321 = tpu.vector_load %arg6[%swap3A_319, %swap3A_320] {strides = array<i32>} : memref<4x128xi32, #tpu.memory_space<vmem>>, vector<1x16xi32>,
    %swap3A_322 = vector.shape_cast %swap3A_321 : vector<1x16xi32> to vector<16xi32>
    %swap3A_323 = vector.shape_cast %add3A_317 : vector<16xi32> to vector<1x16xi32>
    tpu.vector_store %arg6[%swap3A_319, %swap3A_320], %swap3A_323 {strides = array<i32>} : memref<4x128xi32, #tpu.memory_space<vmem>>, vector<1x16xi32>,
    %add3A_324 = arith.constant 288 : i32
    %add3A_325 = arith.addi %mul3A_2, %add3A_324 : i32
    %iota3A_326 = tpu.iota {dimensions = array<i32: 0>} : vector<16xi32>
    %add3A_327 = vector.broadcast %add3A_325 : i32 to vector<16xi32>
    %add3A_328 = arith.addi %add3A_327, %iota3A_326 : vector<16xi32>
    %mul3A_329 = arith.constant 1000 : i32
    %mul3A_330 = vector.broadcast %mul3A_329 : i32 to vector<16xi32>
    %mul3A_331 = arith.muli %add3A_328, %mul3A_330 : vector<16xi32>
    %get3A_332 = arith.constant 288 : index
    %get3A_333 = tpu.vector_load %arg5[%get3A_332] {strides = array<i32>} : memref<512xi32, #tpu.memory_space<vmem>>, vector<16xi32>,
    %get3A_334 = vector.shape_cast %get3A_333 : vector<16xi32> to vector<16xi32>
    %add3A_335 = arith.addi %mul3A_331, %get3A_334 : vector<16xi32>
    %swap3A_336 = arith.constant 2 : i32
    %swap3A_337 = arith.index_cast %swap3A_336 : i32 to index
    %swap3A_338 = arith.constant 32 : index
    %swap3A_339 = tpu.vector_load %arg6[%swap3A_337, %swap3A_338] {strides = array<i32>} : memref<4x128xi32, #tpu.memory_space<vmem>>, vector<1x16xi32>,
    %swap3A_340 = vector.shape_cast %swap3A_339 : vector<1x16xi32> to vector<16xi32>
    %swap3A_341 = vector.shape_cast %add3A_335 : vector<16xi32> to vector<1x16xi32>
    tpu.vector_store %arg6[%swap3A_337, %swap3A_338], %swap3A_341 {strides = array<i32>} : memref<4x128xi32, #tpu.memory_space<vmem>>, vector<1x16xi32>,
    %add3A_342 = arith.constant 304 : i32
    %add3A_343 = arith.addi %mul3A_2, %add3A_342 : i32
    %iota3A_344 = tpu.iota {dimensions = array<i32: 0>} : vector<16xi32>
    %add3A_345 = vector.broadcast %add3A_343 : i32 to vector<16xi32>
    %add3A_346 = arith.addi %add3A_345, %iota3A_344 : vector<16xi32>
    %mul3A_347 = arith.constant 1000 : i32
    %mul3A_348 = vector.broadcast %mul3A_347 : i32 to vector<16xi32>
    %mul3A_349 = arith.muli %add3A_346, %mul3A_348 : vector<16xi32>
    %get3A_350 = arith.constant 304 : index
    %get3A_351 = tpu.vector_load %arg5[%get3A_350] {strides = array<i32>} : memref<512xi32, #tpu.memory_space<vmem>>, vector<16xi32>,
    %get3A_352 = vector.shape_cast %get3A_351 : vector<16xi32> to vector<16xi32>
    %add3A_353 = arith.addi %mul3A_349, %get3A_352 : vector<16xi32>
    %swap3A_354 = arith.constant 2 : i32
    %swap3A_355 = arith.index_cast %swap3A_354 : i32 to index
    %swap3A_356 = arith.constant 48 : index
    %swap3A_357 = tpu.vector_load %arg6[%swap3A_355, %swap3A_356] {strides = array<i32>} : memref<4x128xi32, #tpu.memory_space<vmem>>, vector<1x16xi32>,
    %swap3A_358 = vector.shape_cast %swap3A_357 : vector<1x16xi32> to vector<16xi32>
    %swap3A_359 = vector.shape_cast %add3A_353 : vector<16xi32> to vector<1x16xi32>
    tpu.vector_store %arg6[%swap3A_355, %swap3A_356], %swap3A_359 {strides = array<i32>} : memref<4x128xi32, #tpu.memory_space<vmem>>, vector<1x16xi32>,
    %add3A_360 = arith.constant 320 : i32
    %add3A_361 = arith.addi %mul3A_2, %add3A_360 : i32
    %iota3A_362 = tpu.iota {dimensions = array<i32: 0>} : vector<16xi32>
    %add3A_363 = vector.broadcast %add3A_361 : i32 to vector<16xi32>
    %add3A_364 = arith.addi %add3A_363, %iota3A_362 : vector<16xi32>
    %mul3A_365 = arith.constant 1000 : i32
    %mul3A_366 = vector.broadcast %mul3A_365 : i32 to vector<16xi32>
    %mul3A_367 = arith.muli %add3A_364, %mul3A_366 : vector<16xi32>
    %get3A_368 = arith.constant 320 : index
    %get3A_369 = tpu.vector_load %arg5[%get3A_368] {strides = array<i32>} : memref<512xi32, #tpu.memory_space<vmem>>, vector<16xi32>,
    %get3A_370 = vector.shape_cast %get3A_369 : vector<16xi32> to vector<16xi32>
    %add3A_371 = arith.addi %mul3A_367, %get3A_370 : vector<16xi32>
    %swap3A_372 = arith.constant 2 : i32
    %swap3A_373 = arith.index_cast %swap3A_372 : i32 to index
    %swap3A_374 = arith.constant 64 : index
    %swap3A_375 = tpu.vector_load %arg6[%swap3A_373, %swap3A_374] {strides = array<i32>} : memref<4x128xi32, #tpu.memory_space<vmem>>, vector<1x16xi32>,
    %swap3A_376 = vector.shape_cast %swap3A_375 : vector<1x16xi32> to vector<16xi32>
    %swap3A_377 = vector.shape_cast %add3A_371 : vector<16xi32> to vector<1x16xi32>
    tpu.vector_store %arg6[%swap3A_373, %swap3A_374], %swap3A_377 {strides = array<i32>} : memref<4x128xi32, #tpu.memory_space<vmem>>, vector<1x16xi32>,
    %add3A_378 = arith.constant 336 : i32
    %add3A_379 = arith.addi %mul3A_2, %add3A_378 : i32
    %iota3A_380 = tpu.iota {dimensions = array<i32: 0>} : vector<16xi32>
    %add3A_381 = vector.broadcast %add3A_379 : i32 to vector<16xi32>
    %add3A_382 = arith.addi %add3A_381, %iota3A_380 : vector<16xi32>
    %mul3A_383 = arith.constant 1000 : i32
    %mul3A_384 = vector.broadcast %mul3A_383 : i32 to vector<16xi32>
    %mul3A_385 = arith.muli %add3A_382, %mul3A_384 : vector<16xi32>
    %get3A_386 = arith.constant 336 : index
    %get3A_387 = tpu.vector_load %arg5[%get3A_386] {strides = array<i32>} : memref<512xi32, #tpu.memory_space<vmem>>, vector<16xi32>,
    %get3A_388 = vector.shape_cast %get3A_387 : vector<16xi32> to vector<16xi32>
    %add3A_389 = arith.addi %mul3A_385, %get3A_388 : vector<16xi32>
    %swap3A_390 = arith.constant 2 : i32
    %swap3A_391 = arith.index_cast %swap3A_390 : i32 to index
    %swap3A_392 = arith.constant 80 : index
    %swap3A_393 = tpu.vector_load %arg6[%swap3A_391, %swap3A_392] {strides = array<i32>} : memref<4x128xi32, #tpu.memory_space<vmem>>, vector<1x16xi32>,
    %swap3A_394 = vector.shape_cast %swap3A_393 : vector<1x16xi32> to vector<16xi32>
    %swap3A_395 = vector.shape_cast %add3A_389 : vector<16xi32> to vector<1x16xi32>
    tpu.vector_store %arg6[%swap3A_391, %swap3A_392], %swap3A_395 {strides = array<i32>} : memref<4x128xi32, #tpu.memory_space<vmem>>, vector<1x16xi32>,
    %add3A_396 = arith.constant 352 : i32
    %add3A_397 = arith.addi %mul3A_2, %add3A_396 : i32
    %iota3A_398 = tpu.iota {dimensions = array<i32: 0>} : vector<16xi32>
    %add3A_399 = vector.broadcast %add3A_397 : i32 to vector<16xi32>
    %add3A_400 = arith.addi %add3A_399, %iota3A_398 : vector<16xi32>
    %mul3A_401 = arith.constant 1000 : i32
    %mul3A_402 = vector.broadcast %mul3A_401 : i32 to vector<16xi32>
    %mul3A_403 = arith.muli %add3A_400, %mul3A_402 : vector<16xi32>
    %get3A_404 = arith.constant 352 : index
    %get3A_405 = tpu.vector_load %arg5[%get3A_404] {strides = array<i32>} : memref<512xi32, #tpu.memory_space<vmem>>, vector<16xi32>,
    %get3A_406 = vector.shape_cast %get3A_405 : vector<16xi32> to vector<16xi32>
    %add3A_407 = arith.addi %mul3A_403, %get3A_406 : vector<16xi32>
    %swap3A_408 = arith.constant 2 : i32
    %swap3A_409 = arith.index_cast %swap3A_408 : i32 to index
    %swap3A_410 = arith.constant 96 : index
    %swap3A_411 = tpu.vector_load %arg6[%swap3A_409, %swap3A_410] {strides = array<i32>} : memref<4x128xi32, #tpu.memory_space<vmem>>, vector<1x16xi32>,
    %swap3A_412 = vector.shape_cast %swap3A_411 : vector<1x16xi32> to vector<16xi32>
    %swap3A_413 = vector.shape_cast %add3A_407 : vector<16xi32> to vector<1x16xi32>
    tpu.vector_store %arg6[%swap3A_409, %swap3A_410], %swap3A_413 {strides = array<i32>} : memref<4x128xi32, #tpu.memory_space<vmem>>, vector<1x16xi32>,
    %add3A_414 = arith.constant 368 : i32
    %add3A_415 = arith.addi %mul3A_2, %add3A_414 : i32
    %iota3A_416 = tpu.iota {dimensions = array<i32: 0>} : vector<16xi32>
    %add3A_417 = vector.broadcast %add3A_415 : i32 to vector<16xi32>
    %add3A_418 = arith.addi %add3A_417, %iota3A_416 : vector<16xi32>
    %mul3A_419 = arith.constant 1000 : i32
    %mul3A_420 = vector.broadcast %mul3A_419 : i32 to vector<16xi32>
    %mul3A_421 = arith.muli %add3A_418, %mul3A_420 : vector<16xi32>
    %get3A_422 = arith.constant 368 : index
    %get3A_423 = tpu.vector_load %arg5[%get3A_422] {strides = array<i32>} : memref<512xi32, #tpu.memory_space<vmem>>, vector<16xi32>,
    %get3A_424 = vector.shape_cast %get3A_423 : vector<16xi32> to vector<16xi32>
    %add3A_425 = arith.addi %mul3A_421, %get3A_424 : vector<16xi32>
    %swap3A_426 = arith.constant 2 : i32
    %swap3A_427 = arith.index_cast %swap3A_426 : i32 to index
    %swap3A_428 = arith.constant 112 : index
    %swap3A_429 = tpu.vector_load %arg6[%swap3A_427, %swap3A_428] {strides = array<i32>} : memref<4x128xi32, #tpu.memory_space<vmem>>, vector<1x16xi32>,
    %swap3A_430 = vector.shape_cast %swap3A_429 : vector<1x16xi32> to vector<16xi32>
    %swap3A_431 = vector.shape_cast %add3A_425 : vector<16xi32> to vector<1x16xi32>
    tpu.vector_store %arg6[%swap3A_427, %swap3A_428], %swap3A_431 {strides = array<i32>} : memref<4x128xi32, #tpu.memory_space<vmem>>, vector<1x16xi32>,
    %add3A_432 = arith.constant 384 : i32
    %add3A_433 = arith.addi %mul3A_2, %add3A_432 : i32
    %iota3A_434 = tpu.iota {dimensions = array<i32: 0>} : vector<16xi32>
    %add3A_435 = vector.broadcast %add3A_433 : i32 to vector<16xi32>
    %add3A_436 = arith.addi %add3A_435, %iota3A_434 : vector<16xi32>
    %mul3A_437 = arith.constant 1000 : i32
    %mul3A_438 = vector.broadcast %mul3A_437 : i32 to vector<16xi32>
    %mul3A_439 = arith.muli %add3A_436, %mul3A_438 : vector<16xi32>
    %get3A_440 = arith.constant 384 : index
    %get3A_441 = tpu.vector_load %arg5[%get3A_440] {strides = array<i32>} : memref<512xi32, #tpu.memory_space<vmem>>, vector<16xi32>,
    %get3A_442 = vector.shape_cast %get3A_441 : vector<16xi32> to vector<16xi32>
    %add3A_443 = arith.addi %mul3A_439, %get3A_442 : vector<16xi32>
    %swap3A_444 = arith.constant 3 : i32
    %swap3A_445 = arith.index_cast %swap3A_444 : i32 to index
    %swap3A_446 = arith.constant 0 : index
    %swap3A_447 = tpu.vector_load %arg6[%swap3A_445, %swap3A_446] {strides = array<i32>} : memref<4x128xi32, #tpu.memory_space<vmem>>, vector<1x16xi32>,
    %swap3A_448 = vector.shape_cast %swap3A_447 : vector<1x16xi32> to vector<16xi32>
    %swap3A_449 = vector.shape_cast %add3A_443 : vector<16xi32> to vector<1x16xi32>
    tpu.vector_store %arg6[%swap3A_445, %swap3A_446], %swap3A_449 {strides = array<i32>} : memref<4x128xi32, #tpu.memory_space<vmem>>, vector<1x16xi32>,
    %add3A_450 = arith.constant 400 : i32
    %add3A_451 = arith.addi %mul3A_2, %add3A_450 : i32
    %iota3A_452 = tpu.iota {dimensions = array<i32: 0>} : vector<16xi32>
    %add3A_453 = vector.broadcast %add3A_451 : i32 to vector<16xi32>
    %add3A_454 = arith.addi %add3A_453, %iota3A_452 : vector<16xi32>
    %mul3A_455 = arith.constant 1000 : i32
    %mul3A_456 = vector.broadcast %mul3A_455 : i32 to vector<16xi32>
    %mul3A_457 = arith.muli %add3A_454, %mul3A_456 : vector<16xi32>
    %get3A_458 = arith.constant 400 : index
    %get3A_459 = tpu.vector_load %arg5[%get3A_458] {strides = array<i32>} : memref<512xi32, #tpu.memory_space<vmem>>, vector<16xi32>,
    %get3A_460 = vector.shape_cast %get3A_459 : vector<16xi32> to vector<16xi32>
    %add3A_461 = arith.addi %mul3A_457, %get3A_460 : vector<16xi32>
    %swap3A_462 = arith.constant 3 : i32
    %swap3A_463 = arith.index_cast %swap3A_462 : i32 to index
    %swap3A_464 = arith.constant 16 : index
    %swap3A_465 = tpu.vector_load %arg6[%swap3A_463, %swap3A_464] {strides = array<i32>} : memref<4x128xi32, #tpu.memory_space<vmem>>, vector<1x16xi32>,
    %swap3A_466 = vector.shape_cast %swap3A_465 : vector<1x16xi32> to vector<16xi32>
    %swap3A_467 = vector.shape_cast %add3A_461 : vector<16xi32> to vector<1x16xi32>
    tpu.vector_store %arg6[%swap3A_463, %swap3A_464], %swap3A_467 {strides = array<i32>} : memref<4x128xi32, #tpu.memory_space<vmem>>, vector<1x16xi32>,
    %add3A_468 = arith.constant 416 : i32
    %add3A_469 = arith.addi %mul3A_2, %add3A_468 : i32
    %iota3A_470 = tpu.iota {dimensions = array<i32: 0>} : vector<16xi32>
    %add3A_471 = vector.broadcast %add3A_469 : i32 to vector<16xi32>
    %add3A_472 = arith.addi %add3A_471, %iota3A_470 : vector<16xi32>
    %mul3A_473 = arith.constant 1000 : i32
    %mul3A_474 = vector.broadcast %mul3A_473 : i32 to vector<16xi32>
    %mul3A_475 = arith.muli %add3A_472, %mul3A_474 : vector<16xi32>
    %get3A_476 = arith.constant 416 : index
    %get3A_477 = tpu.vector_load %arg5[%get3A_476] {strides = array<i32>} : memref<512xi32, #tpu.memory_space<vmem>>, vector<16xi32>,
    %get3A_478 = vector.shape_cast %get3A_477 : vector<16xi32> to vector<16xi32>
    %add3A_479 = arith.addi %mul3A_475, %get3A_478 : vector<16xi32>
    %swap3A_480 = arith.constant 3 : i32
    %swap3A_481 = arith.index_cast %swap3A_480 : i32 to index
    %swap3A_482 = arith.constant 32 : index
    %swap3A_483 = tpu.vector_load %arg6[%swap3A_481, %swap3A_482] {strides = array<i32>} : memref<4x128xi32, #tpu.memory_space<vmem>>, vector<1x16xi32>,
    %swap3A_484 = vector.shape_cast %swap3A_483 : vector<1x16xi32> to vector<16xi32>
    %swap3A_485 = vector.shape_cast %add3A_479 : vector<16xi32> to vector<1x16xi32>
    tpu.vector_store %arg6[%swap3A_481, %swap3A_482], %swap3A_485 {strides = array<i32>} : memref<4x128xi32, #tpu.memory_space<vmem>>, vector<1x16xi32>,
    %add3A_486 = arith.constant 432 : i32
    %add3A_487 = arith.addi %mul3A_2, %add3A_486 : i32
    %iota3A_488 = tpu.iota {dimensions = array<i32: 0>} : vector<16xi32>
    %add3A_489 = vector.broadcast %add3A_487 : i32 to vector<16xi32>
    %add3A_490 = arith.addi %add3A_489, %iota3A_488 : vector<16xi32>
    %mul3A_491 = arith.constant 1000 : i32
    %mul3A_492 = vector.broadcast %mul3A_491 : i32 to vector<16xi32>
    %mul3A_493 = arith.muli %add3A_490, %mul3A_492 : vector<16xi32>
    %get3A_494 = arith.constant 432 : index
    %get3A_495 = tpu.vector_load %arg5[%get3A_494] {strides = array<i32>} : memref<512xi32, #tpu.memory_space<vmem>>, vector<16xi32>,
    %get3A_496 = vector.shape_cast %get3A_495 : vector<16xi32> to vector<16xi32>
    %add3A_497 = arith.addi %mul3A_493, %get3A_496 : vector<16xi32>
    %swap3A_498 = arith.constant 3 : i32
    %swap3A_499 = arith.index_cast %swap3A_498 : i32 to index
    %swap3A_500 = arith.constant 48 : index
    %swap3A_501 = tpu.vector_load %arg6[%swap3A_499, %swap3A_500] {strides = array<i32>} : memref<4x128xi32, #tpu.memory_space<vmem>>, vector<1x16xi32>,
    %swap3A_502 = vector.shape_cast %swap3A_501 : vector<1x16xi32> to vector<16xi32>
    %swap3A_503 = vector.shape_cast %add3A_497 : vector<16xi32> to vector<1x16xi32>
    tpu.vector_store %arg6[%swap3A_499, %swap3A_500], %swap3A_503 {strides = array<i32>} : memref<4x128xi32, #tpu.memory_space<vmem>>, vector<1x16xi32>,
    %add3A_504 = arith.constant 448 : i32
    %add3A_505 = arith.addi %mul3A_2, %add3A_504 : i32
    %iota3A_506 = tpu.iota {dimensions = array<i32: 0>} : vector<16xi32>
    %add3A_507 = vector.broadcast %add3A_505 : i32 to vector<16xi32>
    %add3A_508 = arith.addi %add3A_507, %iota3A_506 : vector<16xi32>
    %mul3A_509 = arith.constant 1000 : i32
    %mul3A_510 = vector.broadcast %mul3A_509 : i32 to vector<16xi32>
    %mul3A_511 = arith.muli %add3A_508, %mul3A_510 : vector<16xi32>
    %get3A_512 = arith.constant 448 : index
    %get3A_513 = tpu.vector_load %arg5[%get3A_512] {strides = array<i32>} : memref<512xi32, #tpu.memory_space<vmem>>, vector<16xi32>,
    %get3A_514 = vector.shape_cast %get3A_513 : vector<16xi32> to vector<16xi32>
    %add3A_515 = arith.addi %mul3A_511, %get3A_514 : vector<16xi32>
    %swap3A_516 = arith.constant 3 : i32
    %swap3A_517 = arith.index_cast %swap3A_516 : i32 to index
    %swap3A_518 = arith.constant 64 : index
    %swap3A_519 = tpu.vector_load %arg6[%swap3A_517, %swap3A_518] {strides = array<i32>} : memref<4x128xi32, #tpu.memory_space<vmem>>, vector<1x16xi32>,
    %swap3A_520 = vector.shape_cast %swap3A_519 : vector<1x16xi32> to vector<16xi32>
    %swap3A_521 = vector.shape_cast %add3A_515 : vector<16xi32> to vector<1x16xi32>
    tpu.vector_store %arg6[%swap3A_517, %swap3A_518], %swap3A_521 {strides = array<i32>} : memref<4x128xi32, #tpu.memory_space<vmem>>, vector<1x16xi32>,
    %add3A_522 = arith.constant 464 : i32
    %add3A_523 = arith.addi %mul3A_2, %add3A_522 : i32
    %iota3A_524 = tpu.iota {dimensions = array<i32: 0>} : vector<16xi32>
    %add3A_525 = vector.broadcast %add3A_523 : i32 to vector<16xi32>
    %add3A_526 = arith.addi %add3A_525, %iota3A_524 : vector<16xi32>
    %mul3A_527 = arith.constant 1000 : i32
    %mul3A_528 = vector.broadcast %mul3A_527 : i32 to vector<16xi32>
    %mul3A_529 = arith.muli %add3A_526, %mul3A_528 : vector<16xi32>
    %get3A_530 = arith.constant 464 : index
    %get3A_531 = tpu.vector_load %arg5[%get3A_530] {strides = array<i32>} : memref<512xi32, #tpu.memory_space<vmem>>, vector<16xi32>,
    %get3A_532 = vector.shape_cast %get3A_531 : vector<16xi32> to vector<16xi32>
    %add3A_533 = arith.addi %mul3A_529, %get3A_532 : vector<16xi32>
    %swap3A_534 = arith.constant 3 : i32
    %swap3A_535 = arith.index_cast %swap3A_534 : i32 to index
    %swap3A_536 = arith.constant 80 : index
    %swap3A_537 = tpu.vector_load %arg6[%swap3A_535, %swap3A_536] {strides = array<i32>} : memref<4x128xi32, #tpu.memory_space<vmem>>, vector<1x16xi32>,
    %swap3A_538 = vector.shape_cast %swap3A_537 : vector<1x16xi32> to vector<16xi32>
    %swap3A_539 = vector.shape_cast %add3A_533 : vector<16xi32> to vector<1x16xi32>
    tpu.vector_store %arg6[%swap3A_535, %swap3A_536], %swap3A_539 {strides = array<i32>} : memref<4x128xi32, #tpu.memory_space<vmem>>, vector<1x16xi32>,
    %add3A_540 = arith.constant 480 : i32
    %add3A_541 = arith.addi %mul3A_2, %add3A_540 : i32
    %iota3A_542 = tpu.iota {dimensions = array<i32: 0>} : vector<16xi32>
    %add3A_543 = vector.broadcast %add3A_541 : i32 to vector<16xi32>
    %add3A_544 = arith.addi %add3A_543, %iota3A_542 : vector<16xi32>
    %mul3A_545 = arith.constant 1000 : i32
    %mul3A_546 = vector.broadcast %mul3A_545 : i32 to vector<16xi32>
    %mul3A_547 = arith.muli %add3A_544, %mul3A_546 : vector<16xi32>
    %get3A_548 = arith.constant 480 : index
    %get3A_549 = tpu.vector_load %arg5[%get3A_548] {strides = array<i32>} : memref<512xi32, #tpu.memory_space<vmem>>, vector<16xi32>,
    %get3A_550 = vector.shape_cast %get3A_549 : vector<16xi32> to vector<16xi32>
    %add3A_551 = arith.addi %mul3A_547, %get3A_550 : vector<16xi32>
    %swap3A_552 = arith.constant 3 : i32
    %swap3A_553 = arith.index_cast %swap3A_552 : i32 to index
    %swap3A_554 = arith.constant 96 : index
    %swap3A_555 = tpu.vector_load %arg6[%swap3A_553, %swap3A_554] {strides = array<i32>} : memref<4x128xi32, #tpu.memory_space<vmem>>, vector<1x16xi32>,
    %swap3A_556 = vector.shape_cast %swap3A_555 : vector<1x16xi32> to vector<16xi32>
    %swap3A_557 = vector.shape_cast %add3A_551 : vector<16xi32> to vector<1x16xi32>
    tpu.vector_store %arg6[%swap3A_553, %swap3A_554], %swap3A_557 {strides = array<i32>} : memref<4x128xi32, #tpu.memory_space<vmem>>, vector<1x16xi32>,
    %add3A_558 = arith.constant 496 : i32
    %add3A_559 = arith.addi %mul3A_2, %add3A_558 : i32
    %iota3A_560 = tpu.iota {dimensions = array<i32: 0>} : vector<16xi32>
    %add3A_561 = vector.broadcast %add3A_559 : i32 to vector<16xi32>
    %add3A_562 = arith.addi %add3A_561, %iota3A_560 : vector<16xi32>
    %mul3A_563 = arith.constant 1000 : i32
    %mul3A_564 = vector.broadcast %mul3A_563 : i32 to vector<16xi32>
    %mul3A_565 = arith.muli %add3A_562, %mul3A_564 : vector<16xi32>
    %get3A_566 = arith.constant 496 : index
    %get3A_567 = tpu.vector_load %arg5[%get3A_566] {strides = array<i32>} : memref<512xi32, #tpu.memory_space<vmem>>, vector<16xi32>,
    %get3A_568 = vector.shape_cast %get3A_567 : vector<16xi32> to vector<16xi32>
    %add3A_569 = arith.addi %mul3A_565, %get3A_568 : vector<16xi32>
    %swap3A_570 = arith.constant 3 : i32
    %swap3A_571 = arith.index_cast %swap3A_570 : i32 to index
    %swap3A_572 = arith.constant 112 : index
    %swap3A_573 = tpu.vector_load %arg6[%swap3A_571, %swap3A_572] {strides = array<i32>} : memref<4x128xi32, #tpu.memory_space<vmem>>, vector<1x16xi32>,
    %swap3A_574 = vector.shape_cast %swap3A_573 : vector<1x16xi32> to vector<16xi32>
    %swap3A_575 = vector.shape_cast %add3A_569 : vector<16xi32> to vector<1x16xi32>
    tpu.vector_store %arg6[%swap3A_571, %swap3A_572], %swap3A_575 {strides = array<i32>} : memref<4x128xi32, #tpu.memory_space<vmem>>, vector<1x16xi32>,
    %dma_start3A = arith.constant 0 : i32
    %dma_start3A_576 = arith.constant 0 : i32
    %dma_start3A_577 = arith.constant 0 : i32
    %dma_start3A_578 = tpu.memref_slice %arg7[%dma_start3A_576, %dma_start3A_577] : memref<4x128xf32, #tpu.memory_space<vmem>> -> memref<1x128xf32, #tpu.memory_space<vmem>>
    %dma_start3A_579 = tpu.memref_squeeze %dma_start3A_578 : memref<1x128xf32, #tpu.memory_space<vmem>> -> memref<128xf32, #tpu.memory_space<vmem>>
    %dma_start3A_580 = arith.constant 0 : i32
    %dma_start3A_581 = tpu.memref_slice %arg6[%dma_start3A, %dma_start3A_580] : memref<4x128xi32, #tpu.memory_space<vmem>> -> memref<1x128xi32, #tpu.memory_space<vmem>>
    %dma_start3A_582 = tpu.memref_squeeze %dma_start3A_581 : memref<1x128xi32, #tpu.memory_space<vmem>> -> memref<128xi32, #tpu.memory_space<vmem>>
    %dma_start3A_583 = arith.constant 0 : i32
    %dma_start3A_584 = tpu.memref_slice %arg2[%dma_start3A_583] : memref<16384000xf32, #tpu.memory_space<hbm>> -> memref<16384000xf32, #tpu.memory_space<hbm>>
    tpu.enqueue_indirect_dma source(%dma_start3A_584 : memref<16384000xf32, #tpu.memory_space<hbm>>) target(%dma_start3A_579 : memref<128xf32, #tpu.memory_space<vmem>>) offsets(%dma_start3A_582 : memref<128xi32, #tpu.memory_space<vmem>>) semaphore(%arg8 : memref<!tpu.dma_semaphore, #tpu.memory_space<semaphore_mem>>)
    %dma_start3A_585 = arith.constant 1 : i32
    %dma_start3A_586 = arith.constant 1 : i32
    %dma_start3A_587 = arith.constant 0 : i32
    %dma_start3A_588 = tpu.memref_slice %arg7[%dma_start3A_586, %dma_start3A_587] : memref<4x128xf32, #tpu.memory_space<vmem>> -> memref<1x128xf32, #tpu.memory_space<vmem>>
    %dma_start3A_589 = tpu.memref_squeeze %dma_start3A_588 : memref<1x128xf32, #tpu.memory_space<vmem>> -> memref<128xf32, #tpu.memory_space<vmem>>
    %dma_start3A_590 = arith.constant 0 : i32
    %dma_start3A_591 = tpu.memref_slice %arg6[%dma_start3A_585, %dma_start3A_590] : memref<4x128xi32, #tpu.memory_space<vmem>> -> memref<1x128xi32, #tpu.memory_space<vmem>>
    %dma_start3A_592 = tpu.memref_squeeze %dma_start3A_591 : memref<1x128xi32, #tpu.memory_space<vmem>> -> memref<128xi32, #tpu.memory_space<vmem>>
    %dma_start3A_593 = arith.constant 0 : i32
    %dma_start3A_594 = tpu.memref_slice %arg2[%dma_start3A_593] : memref<16384000xf32, #tpu.memory_space<hbm>> -> memref<16384000xf32, #tpu.memory_space<hbm>>
    tpu.enqueue_indirect_dma source(%dma_start3A_594 : memref<16384000xf32, #tpu.memory_space<hbm>>) target(%dma_start3A_589 : memref<128xf32, #tpu.memory_space<vmem>>) offsets(%dma_start3A_592 : memref<128xi32, #tpu.memory_space<vmem>>) semaphore(%arg8 : memref<!tpu.dma_semaphore, #tpu.memory_space<semaphore_mem>>)
    %dma_start3A_595 = arith.constant 2 : i32
    %dma_start3A_596 = arith.constant 2 : i32
    %dma_start3A_597 = arith.constant 0 : i32
    %dma_start3A_598 = tpu.memref_slice %arg7[%dma_start3A_596, %dma_start3A_597] : memref<4x128xf32, #tpu.memory_space<vmem>> -> memref<1x128xf32, #tpu.memory_space<vmem>>
    %dma_start3A_599 = tpu.memref_squeeze %dma_start3A_598 : memref<1x128xf32, #tpu.memory_space<vmem>> -> memref<128xf32, #tpu.memory_space<vmem>>
    %dma_start3A_600 = arith.constant 0 : i32
    %dma_start3A_601 = tpu.memref_slice %arg6[%dma_start3A_595, %dma_start3A_600] : memref<4x128xi32, #tpu.memory_space<vmem>> -> memref<1x128xi32, #tpu.memory_space<vmem>>
    %dma_start3A_602 = tpu.memref_squeeze %dma_start3A_601 : memref<1x128xi32, #tpu.memory_space<vmem>> -> memref<128xi32, #tpu.memory_space<vmem>>
    %dma_start3A_603 = arith.constant 0 : i32
    %dma_start3A_604 = tpu.memref_slice %arg2[%dma_start3A_603] : memref<16384000xf32, #tpu.memory_space<hbm>> -> memref<16384000xf32, #tpu.memory_space<hbm>>
    tpu.enqueue_indirect_dma source(%dma_start3A_604 : memref<16384000xf32, #tpu.memory_space<hbm>>) target(%dma_start3A_599 : memref<128xf32, #tpu.memory_space<vmem>>) offsets(%dma_start3A_602 : memref<128xi32, #tpu.memory_space<vmem>>) semaphore(%arg8 : memref<!tpu.dma_semaphore, #tpu.memory_space<semaphore_mem>>)
    %dma_start3A_605 = arith.constant 3 : i32
    %dma_start3A_606 = arith.constant 3 : i32
    %dma_start3A_607 = arith.constant 0 : i32
    %dma_start3A_608 = tpu.memref_slice %arg7[%dma_start3A_606, %dma_start3A_607] : memref<4x128xf32, #tpu.memory_space<vmem>> -> memref<1x128xf32, #tpu.memory_space<vmem>>
    %dma_start3A_609 = tpu.memref_squeeze %dma_start3A_608 : memref<1x128xf32, #tpu.memory_space<vmem>> -> memref<128xf32, #tpu.memory_space<vmem>>
    %dma_start3A_610 = arith.constant 0 : i32
    %dma_start3A_611 = tpu.memref_slice %arg6[%dma_start3A_605, %dma_start3A_610] : memref<4x128xi32, #tpu.memory_space<vmem>> -> memref<1x128xi32, #tpu.memory_space<vmem>>
    %dma_start3A_612 = tpu.memref_squeeze %dma_start3A_611 : memref<1x128xi32, #tpu.memory_space<vmem>> -> memref<128xi32, #tpu.memory_space<vmem>>
    %dma_start3A_613 = arith.constant 0 : i32
    %dma_start3A_614 = tpu.memref_slice %arg2[%dma_start3A_613] : memref<16384000xf32, #tpu.memory_space<hbm>> -> memref<16384000xf32, #tpu.memory_space<hbm>>
    tpu.enqueue_indirect_dma source(%dma_start3A_614 : memref<16384000xf32, #tpu.memory_space<hbm>>) target(%dma_start3A_609 : memref<128xf32, #tpu.memory_space<vmem>>) offsets(%dma_start3A_612 : memref<128xi32, #tpu.memory_space<vmem>>) semaphore(%arg8 : memref<!tpu.dma_semaphore, #tpu.memory_space<semaphore_mem>>)
    %dma_wait3A = arith.constant 0 : i32
    %dma_wait3A_615 = arith.constant 0 : i32
    %dma_wait3A_616 = arith.constant 0 : i32
    %dma_wait3A_617 = tpu.memref_slice %arg7[%dma_wait3A_615, %dma_wait3A_616] : memref<4x128xf32, #tpu.memory_space<vmem>> -> memref<1x128xf32, #tpu.memory_space<vmem>>
    %dma_wait3A_618 = tpu.memref_squeeze %dma_wait3A_617 : memref<1x128xf32, #tpu.memory_space<vmem>> -> memref<128xf32, #tpu.memory_space<vmem>>
    %dma_wait3A_619 = arith.constant 0 : i32
    %dma_wait3A_620 = tpu.memref_slice %arg6[%dma_wait3A, %dma_wait3A_619] : memref<4x128xi32, #tpu.memory_space<vmem>> -> memref<1x128xi32, #tpu.memory_space<vmem>>
    %dma_wait3A_621 = tpu.memref_squeeze %dma_wait3A_620 : memref<1x128xi32, #tpu.memory_space<vmem>> -> memref<128xi32, #tpu.memory_space<vmem>>
    %dma_wait3A_622 = arith.constant 0 : i32
    %dma_wait3A_623 = tpu.memref_slice %arg2[%dma_wait3A_622] : memref<16384000xf32, #tpu.memory_space<hbm>> -> memref<16384000xf32, #tpu.memory_space<hbm>>
    tpu.wait_indirect_dma semaphore(%arg8 : memref<!tpu.dma_semaphore, #tpu.memory_space<semaphore_mem>>) src(%dma_wait3A_623 : memref<16384000xf32, #tpu.memory_space<hbm>>) dst(%dma_wait3A_618 : memref<128xf32, #tpu.memory_space<vmem>>)
    %dma_wait3A_624 = arith.constant 1 : i32
    %dma_wait3A_625 = arith.constant 1 : i32
    %dma_wait3A_626 = arith.constant 0 : i32
    %dma_wait3A_627 = tpu.memref_slice %arg7[%dma_wait3A_625, %dma_wait3A_626] : memref<4x128xf32, #tpu.memory_space<vmem>> -> memref<1x128xf32, #tpu.memory_space<vmem>>
    %dma_wait3A_628 = tpu.memref_squeeze %dma_wait3A_627 : memref<1x128xf32, #tpu.memory_space<vmem>> -> memref<128xf32, #tpu.memory_space<vmem>>
    %dma_wait3A_629 = arith.constant 0 : i32
    %dma_wait3A_630 = tpu.memref_slice %arg6[%dma_wait3A_624, %dma_wait3A_629] : memref<4x128xi32, #tpu.memory_space<vmem>> -> memref<1x128xi32, #tpu.memory_space<vmem>>
    %dma_wait3A_631 = tpu.memref_squeeze %dma_wait3A_630 : memref<1x128xi32, #tpu.memory_space<vmem>> -> memref<128xi32, #tpu.memory_space<vmem>>
    %dma_wait3A_632 = arith.constant 0 : i32
    %dma_wait3A_633 = tpu.memref_slice %arg2[%dma_wait3A_632] : memref<16384000xf32, #tpu.memory_space<hbm>> -> memref<16384000xf32, #tpu.memory_space<hbm>>
    tpu.wait_indirect_dma semaphore(%arg8 : memref<!tpu.dma_semaphore, #tpu.memory_space<semaphore_mem>>) src(%dma_wait3A_633 : memref<16384000xf32, #tpu.memory_space<hbm>>) dst(%dma_wait3A_628 : memref<128xf32, #tpu.memory_space<vmem>>)
    %dma_wait3A_634 = arith.constant 2 : i32
    %dma_wait3A_635 = arith.constant 2 : i32
    %dma_wait3A_636 = arith.constant 0 : i32
    %dma_wait3A_637 = tpu.memref_slice %arg7[%dma_wait3A_635, %dma_wait3A_636] : memref<4x128xf32, #tpu.memory_space<vmem>> -> memref<1x128xf32, #tpu.memory_space<vmem>>
    %dma_wait3A_638 = tpu.memref_squeeze %dma_wait3A_637 : memref<1x128xf32, #tpu.memory_space<vmem>> -> memref<128xf32, #tpu.memory_space<vmem>>
    %dma_wait3A_639 = arith.constant 0 : i32
    %dma_wait3A_640 = tpu.memref_slice %arg6[%dma_wait3A_634, %dma_wait3A_639] : memref<4x128xi32, #tpu.memory_space<vmem>> -> memref<1x128xi32, #tpu.memory_space<vmem>>
    %dma_wait3A_641 = tpu.memref_squeeze %dma_wait3A_640 : memref<1x128xi32, #tpu.memory_space<vmem>> -> memref<128xi32, #tpu.memory_space<vmem>>
    %dma_wait3A_642 = arith.constant 0 : i32
    %dma_wait3A_643 = tpu.memref_slice %arg2[%dma_wait3A_642] : memref<16384000xf32, #tpu.memory_space<hbm>> -> memref<16384000xf32, #tpu.memory_space<hbm>>
    tpu.wait_indirect_dma semaphore(%arg8 : memref<!tpu.dma_semaphore, #tpu.memory_space<semaphore_mem>>) src(%dma_wait3A_643 : memref<16384000xf32, #tpu.memory_space<hbm>>) dst(%dma_wait3A_638 : memref<128xf32, #tpu.memory_space<vmem>>)
    %dma_wait3A_644 = arith.constant 3 : i32
    %dma_wait3A_645 = arith.constant 3 : i32
    %dma_wait3A_646 = arith.constant 0 : i32
    %dma_wait3A_647 = tpu.memref_slice %arg7[%dma_wait3A_645, %dma_wait3A_646] : memref<4x128xf32, #tpu.memory_space<vmem>> -> memref<1x128xf32, #tpu.memory_space<vmem>>
    %dma_wait3A_648 = tpu.memref_squeeze %dma_wait3A_647 : memref<1x128xf32, #tpu.memory_space<vmem>> -> memref<128xf32, #tpu.memory_space<vmem>>
    %dma_wait3A_649 = arith.constant 0 : i32
    %dma_wait3A_650 = tpu.memref_slice %arg6[%dma_wait3A_644, %dma_wait3A_649] : memref<4x128xi32, #tpu.memory_space<vmem>> -> memref<1x128xi32, #tpu.memory_space<vmem>>
    %dma_wait3A_651 = tpu.memref_squeeze %dma_wait3A_650 : memref<1x128xi32, #tpu.memory_space<vmem>> -> memref<128xi32, #tpu.memory_space<vmem>>
    %dma_wait3A_652 = arith.constant 0 : i32
    %dma_wait3A_653 = tpu.memref_slice %arg2[%dma_wait3A_652] : memref<16384000xf32, #tpu.memory_space<hbm>> -> memref<16384000xf32, #tpu.memory_space<hbm>>
    tpu.wait_indirect_dma semaphore(%arg8 : memref<!tpu.dma_semaphore, #tpu.memory_space<semaphore_mem>>) src(%dma_wait3A_653 : memref<16384000xf32, #tpu.memory_space<hbm>>) dst(%dma_wait3A_648 : memref<128xf32, #tpu.memory_space<vmem>>)
    "tpu.region"() ({
      %run_scoped3A = tpu.sem_alloc : memref<!tpu.dma_semaphore, #tpu.memory_space<semaphore_mem>>
      %dma_start3A_654 = arith.constant 0 : i32
      %dma_start3A_655 = arith.constant 0 : i32
      %dma_start3A_656 = tpu.memref_slice %arg4[%add3A, %dma_start3A_654, %dma_start3A_655] : memref<32x4x128xf32, #tpu.memory_space<hbm>> -> memref<1x4x128xf32, #tpu.memory_space<hbm>>
      %dma_start3A_657 = tpu.memref_squeeze %dma_start3A_656 : memref<1x4x128xf32, #tpu.memory_space<hbm>> -> memref<4x128xf32, #tpu.memory_space<hbm>>
      %dma_start3A_658 = arith.constant 0 : i32
      %dma_start3A_659 = arith.constant 0 : i32
      %dma_start3A_660 = tpu.memref_slice %arg4[%add3A, %dma_start3A_658, %dma_start3A_659] : memref<32x4x128xf32, #tpu.memory_space<hbm>> -> memref<1x4x128xf32, #tpu.memory_space<hbm>>
      %dma_start3A_661 = tpu.memref_squeeze %dma_start3A_660 : memref<1x4x128xf32, #tpu.memory_space<hbm>> -> memref<4x128xf32, #tpu.memory_space<hbm>>
      tpu.enqueue_dma source(%arg7 : memref<4x128xf32, #tpu.memory_space<vmem>>) target(%dma_start3A_661 : memref<4x128xf32, #tpu.memory_space<hbm>>) target_semaphore(%run_scoped3A : memref<!tpu.dma_semaphore, #tpu.memory_space<semaphore_mem>>)
      %dma_wait3A_662 = arith.constant 0 : i32
      %dma_wait3A_663 = arith.constant 0 : i32
      %dma_wait3A_664 = tpu.memref_slice %arg4[%add3A, %dma_wait3A_662, %dma_wait3A_663] : memref<32x4x128xf32, #tpu.memory_space<hbm>> -> memref<1x4x128xf32, #tpu.memory_space<hbm>>
      %dma_wait3A_665 = tpu.memref_squeeze %dma_wait3A_664 : memref<1x4x128xf32, #tpu.memory_space<hbm>> -> memref<4x128xf32, #tpu.memory_space<hbm>>
      %dma_wait3A_666 = arith.constant 0 : i32
      %dma_wait3A_667 = arith.constant 0 : i32
      %dma_wait3A_668 = tpu.memref_slice %arg4[%add3A, %dma_wait3A_666, %dma_wait3A_667] : memref<32x4x128xf32, #tpu.memory_space<hbm>> -> memref<1x4x128xf32, #tpu.memory_space<hbm>>
      %dma_wait3A_669 = tpu.memref_squeeze %dma_wait3A_668 : memref<1x4x128xf32, #tpu.memory_space<hbm>> -> memref<4x128xf32, #tpu.memory_space<hbm>>
      tpu.wait_dma2 semaphore(%run_scoped3A : memref<!tpu.dma_semaphore, #tpu.memory_space<semaphore_mem>>) src(%arg7 : memref<4x128xf32, #tpu.memory_space<vmem>>) dst(%dma_wait3A_669 : memref<4x128xf32, #tpu.memory_space<hbm>>)
      tpu.yield
    }) : () -> ()
    return
  }
}

</mosaic_0001>

<sc_bundles>
// kernel: kernel.3.cloned.1.call-start
scs
__scs_entry_jumppad:
0x0: {  	(pc) =	sbr.rel $0x88, $3  }
0x1: {  	(tag) =	ssettag $0x0;
	lr =	simm.s32 $0x1  }
0x2: {  	[smem:$0x3F9F] =	sst lr;
	_ =	strace $0xD0000000  }
0x3: {  	_ = 	snop  }
0x4: {  	_ = 	snop  }
0x5: {  	_ = 	snop  }
0x6: {  	_ = 	snop  }
0x7: {  	_ = 	snop  }
__scs_overlays_trampoline_lowered:
0x8: {  	[smem:$0x3FAE] =	sst s0  }
0x9: {  	[smem:$0x3FAF] =	sst s1  }
0xa: {  	[smem:$0x3FB0] =	sst s2  }
0xb: {  	[smem:$0x3FB1] =	sst s3  }
0xc: {  	[smem:$0x3FB2] =	sst s4  }
0xd: {  	[smem:$0x3FB3] =	sst s5  }
0xe: {  	[smem:$0x3FB4] =	sst s6  }
0xf: {  	[smem:$0x3FB5] =	sst s7  }
0x10: {  	[smem:$0x3FB6] =	sst s8  }
0x11: {  	[smem:$0x3FB7] =	sst s9;
	s0 =	simm.s32 @!p0 $0x0  }
0x12: {  	s1 =	sld [smem:$0x3F9D];
	s0 =	simm.s32 @p0 $0x1  }
0x13: {  	[smem:$0x3FB8] =	sst s0;
	s0 =	simm.s32 @!p1 $0x0  }
0x14: {  	s2 =	sld [smem:$0x3F9C];
	s0 =	simm.s32 @p1 $0x1  }
0x15: {  	[smem:$0x3FB9] =	sst s0;
	s0 =	simm.s32 @!p2 $0x0  }
0x16: {  	s3 =	sld [smem:$0x3FDB];
	s0 =	simm.s32 @p2 $0x1  }
0x17: {  	s4 =	simm.s32 $0x1BF5;
	[smem:$0x3FBB] =	sst s0  }
0x18: {  	s0 =	sld [smem:$0x3F9E];
	_ =	swait.ge [sflag:s4], $0x0  }
0x19: {  	s7 =	sld [smem:$0x3F9F]  }
0x1a: {  	s8 =	sadd.s32 $0xFFFFE003, lr  }
0x1b: {  	s9 =	sadd.s32 $0xFFFFFEF7, lr;
	s5 =	simm.s32 $0xFFFFFFFF;
	p2 =	slt.u32 s8, $0xFFFFF086  }
0x1c: {  	p1 =	slt.u32 s9, $0xF7A;
	s5 =	simm.s32 @!p2 $0x0  }
0x1d: {  	s5 =	simm.s32 @p1 $0x1;
	p0 =	seq.s32 s7, s2  }
0x1e: {  	s7 =	smul.u32 @!p0 $0xF7A, s2;
	p2 =	seq.s32 @!p0 s5, $0x0  }
0x1f: {  	s9 =	smul.u32 $0xF7A, s1;
	s8 =	simm.s32 @!p0 $0x1BF5;
	p2 =	por !p2, p0  }
0x20: {  	[sflag:s8] =	ssyncset.s32 @!p0 $0xFFFFF086;
	s6 =	sadd.s32 @!p0 s3, s7;
	s7 =	simm.s32 @!p0 $0x108  }
0x21: {  	s3 =	sadd.s32 s3, s9;
	s6 =	sadd.s32 @!p0 $0x88, s6;
	s7 =	simm.s32 @p2 $0x1082  }
0x22: {  	[simem:s7], [sflag:s8] =	dma.local @!p0 [hbm:s6], $0xF7A  }
0x23: {  	s9 =	sor.u32 $0xD0000000, s2;
	s6 =	simm.s32 $0x108;
	_ =	swait.ge @!p0 [sflag:s8], $0x0  }
0x24: {  	s3 =	sadd.s32 $0x88, s3;
	s6 =	simm.s32 @!p1 $0x1082;
	[sflag:s4] =	ssyncset.s32 $0xFFFFF086  }
0x25: {  	[simem:s6], [sflag:s4] =	dma.local [hbm:s3], $0xF7A  }
0x26: {  	[smem:$0x3F9F] =	sst s1;
	(tag) =	ssettag s2;
	_ =	strace s9  }
0x27: {  	s1 =	sld [smem:$0x3FAF]  }
0x28: {  	s2 =	sld [smem:$0x3FB0]  }
0x29: {  	s4 =	sld [smem:$0x3FB2]  }
0x2a: {  	p0 =	seq.s32 s5, $0x0;
	s5 =	sld [smem:$0x3FB3]  }
0x2b: {  	s6 =	sld [smem:$0x3FB4]  }
0x2c: {  	s7 =	sld [smem:$0x3FB5]  }
0x2d: {  	s3 =	simm.s32 $0x108;
	s8 =	sld [smem:$0x3FB6]  }
0x2e: {  	s3 =	simm.s32 @!p0 $0x1082;
	s9 =	sld [smem:$0x3FB7]  }
0x2f: {  	lr =	sadd.s32 s0, s3;
	s0 =	sld [smem:$0x3FAE]  }
0x30: {  	s3 =	sld [smem:$0x3FB1]  }
0x31: {  	[smem:$0x3FBA] =	sst s10  }
0x32: {  	s10 =	sld [smem:$0x3FB8];
	_ =	sdelay $0x3  }
0x33: {  	p0 =	seq.s32 s10, $0x1;
	s10 =	sld [smem:$0x3FBA];
	_ =	sdelay $0x3  }
0x34: {  	[smem:$0x3FBA] =	sst s10  }
0x35: {  	s10 =	sld [smem:$0x3FB9];
	_ =	sdelay $0x3  }
0x36: {  	p1 =	seq.s32 s10, $0x1;
	s10 =	sld [smem:$0x3FBA];
	_ =	sdelay $0x3  }
0x37: {  	[smem:$0x3FBA] =	sst s10  }
0x38: {  	s10 =	sld [smem:$0x3FBB]  }
0x39: {  	_ = 	snop;
	(pc) =	sbr.ind lr, $3  }
0x3a: {  	_ = 	snop  }
0x3b: {  	_ = 	snop  }
0x3c: {  	p2 =	seq.s32 s10, $0x1;
	s10 =	sld [smem:$0x3FBA]  }
0x3d: {  	_ =	shalt  }
0x3e: {  	_ =	shalt  }
0x3f: {  	_ =	shalt  }
0x40: {  	_ =	shalt  }
0x41: {  	_ =	shalt  }
0x42: {  	_ =	shalt  }
0x43: {  	_ =	shalt  }
0x44: {  	_ =	shalt  }
0x45: {  	_ =	shalt  }
0x46: {  	_ =	shalt  }
0x47: {  	_ =	shalt  }
0x48: {  	_ =	shalt  }
0x49: {  	_ =	shalt  }
0x4a: {  	_ =	shalt  }
0x4b: {  	_ =	shalt  }
0x4c: {  	_ =	shalt  }
0x4d: {  	_ =	shalt  }
0x4e: {  	_ =	shalt  }
0x4f: {  	_ =	shalt  }
0x50: {  	_ =	shalt  }
0x51: {  	_ =	shalt  }
0x52: {  	_ =	shalt  }
0x53: {  	_ =	shalt  }
0x54: {  	_ =	shalt  }
0x55: {  	_ =	shalt  }
0x56: {  	_ =	shalt  }
0x57: {  	_ =	shalt  }
0x58: {  	_ =	shalt  }
0x59: {  	_ =	shalt  }
0x5a: {  	_ =	shalt  }
0x5b: {  	_ =	shalt  }
0x5c: {  	_ =	shalt  }
0x5d: {  	_ =	shalt  }
0x5e: {  	_ =	shalt  }
0x5f: {  	_ =	shalt  }
0x60: {  	_ =	shalt  }
0x61: {  	_ =	shalt  }
0x62: {  	_ =	shalt  }
0x63: {  	_ =	shalt  }
0x64: {  	_ =	shalt  }
0x65: {  	_ =	shalt  }
0x66: {  	_ =	shalt  }
0x67: {  	_ =	shalt  }
0x68: {  	_ =	shalt  }
0x69: {  	_ =	shalt  }
0x6a: {  	_ =	shalt  }
0x6b: {  	_ =	shalt  }
0x6c: {  	_ =	shalt  }
0x6d: {  	_ =	shalt  }
0x6e: {  	_ =	shalt  }
0x6f: {  	_ =	shalt  }
0x70: {  	_ =	shalt  }
0x71: {  	_ =	shalt  }
0x72: {  	_ =	shalt  }
0x73: {  	_ =	shalt  }
0x74: {  	_ =	shalt  }
0x75: {  	_ =	shalt  }
0x76: {  	_ =	shalt  }
0x77: {  	_ =	shalt  }
0x78: {  	_ =	shalt  }
0x79: {  	_ =	shalt  }
0x7a: {  	_ =	shalt  }
0x7b: {  	_ =	shalt  }
0x7c: {  	_ =	shalt  }
0x7d: {  	_ =	shalt  }
0x7e: {  	_ =	shalt  }
0x7f: {  	_ =	shalt  }
0x80: {  	_ =	shalt  }
0x81: {  	_ =	shalt  }
0x82: {  	_ =	shalt  }
0x83: {  	_ =	shalt  }
0x84: {  	_ =	shalt  }
0x85: {  	_ =	shalt  }
0x86: {  	_ =	shalt  }
0x87: {  	_ =	shalt  }
.Lfunc_end0:
.L_simem_size_0:
called_computation_lowered:
.L_overlay_start_0:
0x88: {  	s2 =	sld [smem:$0x3FD9]  }
0x89: {  	s3 =	sld [smem:$0x3FFE];
	_ =	sdelay $0x1  }
0x8a: {  	s1 =	srdreg.scid  }
0x8b: {  	s0 =	sand.u32 $0x1, s1  }
0x8c: {  	s17 =	sshll.u32 s0, $0xA;
	s2 =	sadd.s32 s3, s2  }
0x8d: {  	s2 =	sadd.s32 s2, s17  }
0x8e: {  	[smem:$0x3FC6] =	sst s2  }
0x8f: {  	_ = 	snop  }
0x90: {  	s2 =	sld [smem:$0x3FC8]  }
0x91: {  	s18 =	sld [smem:$0x3FD0];
	(tm) =	ssettm $0x1  }
0x92: {  	s4 =	sld [smem:$0x3FFB];
	_ =	sdelay $0x3  }
0x93: {  	_ =	strace s4  }
0x94: {  	s4 =	sld [smem:$0x3FFC];
	_ =	sdelay $0x3  }
0x95: {  	_ =	strace s4  }
0x96: {  	s4 =	sld [smem:$0x3FFD];
	_ =	sdelay $0x3  }
0x97: {  	_ =	strace s4  }
0x98: {  	_ =	strace $0x8FFFFFFF  }
0x99: {  	s19 =	sld [smem:$0x3FDB];
	_ =	sdelay $0x1  }
0x9a: {  	s5 =	simm.s32 $_scs_section_size  }
0x9b: {  	s6 =	simm.s32 $_size__tile_overlayer_lowered;
	s7 =	simm.s32 $_tile_overlayer_lowered  }
0x9c: {  	s22 =	simm.s32 $0x1BFF;
	s21 =	sshll.u32 s7, $0x1;
	s4 =	sadd.s32 s5, s19  }
0x9d: {  	s8 =	simm.s32 $0x0;
	s20 =	sshll.u32 s6, $0x1;
	s6 =	sadd.s32 s21, s4  }
0x9e: {  	[timem:s8], [sflag:s22] =	dma.local [hbm:s6], s20  }
0x9f: {  	_ =	swait.ge [sflag:s22], s20  }
0xa0: {  	s5 =	ssub.s32 $0x0, s20;
	[sflag:s22] =	ssyncset.done $0x0  }
0xa1: {  	[sflag:s22] =	ssyncadd.s32 s5;
	_ =	sdelay $0x1  }
0xa2: {  	s23 =	simm.s32 $0x1B8B  }
0xa3: {  	_ =	swait.ge [sflag:s23], $0x1  }
0xa4: {  	[sflag:s23] =	ssyncset.done $0x0  }
0xa5: {  	s25 =	simm.s32 $0x1B8E;
	s24 =	sld [smem:$0x3FFE];
	[sflag:s23] =	ssyncadd.s32 $0xFFFFFFFF  }
0xa6: {  	s26 =	simm.s32 $execute0_lowered;
	[smem:$0x3FD2] =	sst s25  }
0xa7: {  	s6 =	sshll.u32 s26, $0x1;
	_ =	strace $0x80000046;
	[dreg:$0x1] =	wrdreg $0xFFFFFFFF  }
0xa8: {  	s28 =	simm.s32 $_size_execute0_lowered;
	s4 =	sadd.s32 s4, s6;
	[dreg:$0x0] =	wrdreg $0x0  }
0xa9: {  	s6 =	sshll.u32 s28, $0x1;
	[dreg:$0x2] =	wrdreg s4  }
0xaa: {  	[dreg:$0x3] =	wrdreg s6  }
0xab: {  	[dreg:$0x4] =	wrdreg $0xC0  }
0xac: {  	_ =	task [dreg:s8], $0x5FFFF  }
0xad: {  	[dreg:$0x1] =	wrdreg $0xFFFFFFFF  }
0xae: {  	[dreg:$0x0] =	wrdreg $0x60  }
0xaf: {  	[dreg:$0x2] =	wrdreg s24  }
0xb0: {  	[dreg:$0x3] =	wrdreg s2  }
0xb1: {  	[dreg:$0x4] =	wrdreg s18  }
0xb2: {  	[dreg:$0x5] =	wrdreg $0x9  }
0xb3: {  	_ =	task.clear_ibuf [dreg:s8], $0x6FFFF;
	_ =	strace $0x90000046  }
0xb4: {  	s29 =	simm.s32 $0x9;
	_ =	strace $0x80000048  }
0xb5: {  	_ =	swait.ge [sflag:s29], $0x1  }
0xb6: {  	[sflag:s29] =	ssyncadd.s32 $0xFFFFFFFF  }
0xb7: {  	_ =	strace $0x90000048  }
0xb8: {  	_ =	sfence  }
0xb9: {  	s30 =	sld [smem:$0x0];
	_ =	sdelay $0x2  }
0xba: {  	s31 =	sshll.u32 s1, $0xD;
	s1 =	sshrl.u32 s1, $0x2  }
0xbb: {  	s3 =	sand.u32 $0x4000, s31;
	s1 =	sadd.s32 s1, s30  }
0xbc: {  	s0 =	sor.u32 s3, s0;
	s1 =	sshll.u32 s1, $0x11  }
0xbd: {  	s0 =	sor.u32 s1, s0  }
0xbe: {  	s0 =	sadd.s32 $0x8F2B, s0  }
0xbf: {  	[sflag:s0] =	ssyncadd.remote.s32 $0x1  }
0xc0: {  	_ =	sfence.sel $0xFFFF  }
0xc1: {  	[dreg:$0x0] =	wrdreg $0xFFFFFFFF;
	(pc) =	sbr.abs _section_cstart, $3  }
0xc2: {  	[dreg:$0x1] =	wrdreg $0xFFFFFFFF  }
0xc3: {  	_ =	task.clear_ibuf [dreg:s8], $0x2FFFF;
	_ =	strace $0x9FFFFFFF  }
0xc4: {  	(tm) =	ssettm $0x7FFFFFFF  }
0xc5: {  	_ =	shalt  }
tec
execute0_lowered:
.L_overlay_start_1:
0x0: {  	(tag) =	ssettag $0x1  }
0x1: {  	s1 =	srdreg.scid  }
0x2: {  	s0 =	stileid.u32;
	s3 =	sand.u32 $0x1, s1  }
0x3: {  	s29 =	sshll.u32 s0, $0xA;
	s2 =	sshll.u32 s3, $0x9  }
0x4: {  	s4 =	sor.u32 s2, s29  }
0x5: {  	v3 =	vlaneseq.u32;
	s1 =	sor.u32 $0x10, s4  }
0x6: {  	v29 =	vmul.u32 $0x3E8, v3;
	v0 =	vmov s4;
	s30 =	sor.u32 $0x20, s4;
	s31 =	sor.u32 $0x30, s4;
	v1 =	vmov s1  }
0x7: {  	s2 =	sor.u32 $0x40, s4;
	s7 =	sor.u32 $0x80, s4;
	s9 =	sor.u32 $0xA0, s4;
	v0 =	vmul.u32 $0x3E8, v0;
	v2 =	vmov s30;
	v3 =	vmov s31  }
0x8: {  	s10 =	sor.u32 $0xB0, s4;
	s13 =	sor.u32 $0xE0, s4;
	s15 =	sor.u32 $0x100, s4;
	v4 =	vmov s2;
	v7 =	vmov s7;
	v9 =	vmov s9  }
0x9: {  	s16 =	sor.u32 $0x110, s4;
	s18 =	sor.u32 $0x130, s4;
	s19 =	sor.u32 $0x140, s4;
	v11 =	vmov s10;
	v15 =	vmov s13;
	v16 =	vmov s15  }
0xa: {  	s21 =	sor.u32 $0x160, s4;
	s22 =	sor.u32 $0x170, s4;
	s28 =	sor.u32 $0x1C0, s4;
	v18 =	vmov s16;
	v19 =	vmov s18;
	v21 =	vmov s19  }
0xb: {  	s29 =	sor.u32 $0x1D0, s4;
	v22 =	vmov s21;
	v23 =	vmov s22;
	v28 =	vmov s28  }
0xc: {  	s2 =	sor.u32 $0x50, s4;
	v30 =	vmov s29;
	v1 =	vmul.u32 $0x3E8, v1;
	v2 =	vmul.u32 $0x3E8, v2  }
0xd: {  	v3 =	vmul.u32 $0x3E8, v3;
	v4 =	vmul.u32 $0x3E8, v4;
	v5 =	vmov s2  }
0xe: {  	v10 =	vmul.u32 $0x3E8, v9;
	v16 =	vmul.u32 $0x3E8, v16;
	v19 =	vmul.u32 $0x3E8, v19  }
0xf: {  	v21 =	vmul.u32 $0x3E8, v21;
	v0 =	vbroadcast v0, $0x0;
	v1 =	vbroadcast v1, $0x0  }
0x10: {  	v22 =	vmul.u32 $0x3E8, v22;
	v23 =	vmul.u32 $0x3E8, v23;
	v2 =	vbroadcast v2, $0x0  }
0x11: {  	v8 =	vadd.s32 v29, v0;
	v0 =	vadd.s32 v29, v1;
	v1 =	vmul.u32 $0x3E8, v5  }
0x12: {  	s5 =	sor.u32 $0x60, s4;
	s6 =	sor.u32 $0x70, s4;
	v14 =	vadd.s32 v29, v2;
	v2 =	vbroadcast v3, $0x0;
	v3 =	vbroadcast v4, $0x0  }
0x13: {  	s9 =	sor.u32 $0x190, s4;
	v5 =	vmov s6;
	v4 =	vbroadcast v1, $0x0;
	v1 =	vmov s5  }
0x14: {  	v25 =	vmov s9;
	v5 =	vmul.u32 $0x3E8, v5;
	v6 =	vmul.u32 $0x3E8, v1  }
0x15: {  	s8 =	sor.u32 $0x90, s4;
	v28 =	vmul.u32 $0x3E8, v28;
	v1 =	vadd.s32 v29, v2;
	v2 =	vmul.u32 $0x3E8, v7  }
0x16: {  	v5 =	vbroadcast v5, $0x0;
	v7 =	vmov s8;
	v6 =	vbroadcast v6, $0x0  }
0x17: {  	s30 =	sor.u32 $0x1E0, s4;
	v30 =	vmul.u32 $0x3E8, v30;
	v7 =	vmul.u32 $0x3E8, v7;
	v2 =	vbroadcast v2, $0x0  }
0x18: {  	v31 =	vmov s30;
	v9 =	vadd.s32 v29, v5;
	v12 =	vadd.s32 v29, v6  }
0x19: {  	s11 =	sor.u32 $0xC0, s4;
	s12 =	sor.u32 $0xD0, s4;
	v6 =	vmul.u32 $0x3E8, v11;
	v5 =	vadd.s32 v29, v2;
	v2 =	vbroadcast v7, $0x0  }
0x1a: {  	s31 =	sor.u32 $0x1F0, s4;
	v7 =	vbroadcast v10, $0x0;
	v10 =	vmov s11;
	v11 =	vmov s12  }
0x1b: {  	v32 =	vmov s31;
	v10 =	vmul.u32 $0x3E8, v10;
	v11 =	vmul.u32 $0x3E8, v11  }
0x1c: {  	s14 =	sor.u32 $0xF0, s4;
	v27 =	vmul.u32 $0x3E8, v25;
	v13 =	vadd.s32 v29, v7;
	v7 =	vmul.u32 $0x3E8, v15  }
0x1d: {  	s23 =	sor.u32 $0x1A0, s4;
	v15 =	vmov s14;
	v10 =	vbroadcast v10, $0x0;
	v11 =	vbroadcast v11, $0x0  }
0x1e: {  	v25 =	vmov s23;
	v31 =	vmul.u32 $0x3E8, v31;
	v17 =	vmul.u32 $0x3E8, v15  }
0x1f: {  	v15 =	vadd.s32 v29, v10;
	v10 =	vadd.s32 v29, v11;
	v11 =	vmul.u32 $0x3E8, v18  }
0x20: {  	s17 =	sor.u32 $0x120, s4;
	v32 =	vmul.u32 $0x3E8, v32;
	v16 =	vbroadcast v16, $0x0;
	v19 =	vbroadcast v19, $0x0  }
0x21: {  	v17 =	vbroadcast v17, $0x0;
	v18 =	vbroadcast v11, $0x0;
	v11 =	vmov s17  }
0x22: {  	v28 =	vbroadcast v28, $0x0;
	v30 =	vbroadcast v30, $0x0;
	v20 =	vmul.u32 $0x3E8, v11  }
0x23: {  	s20 =	sor.u32 $0x150, s4;
	s7 =	rddreg [dreg:$0x2];
	v27 =	vbroadcast v27, $0x0;
	v11 =	vadd.s32 v29, v17;
	v17 =	vadd.s32 v29, v18  }
0x24: {  	s25 =	sshrl.u32 s4, $0x3;
	s1 =	rddreg [dreg:$0x3];
	v18 =	vbroadcast v20, $0x0;
	v20 =	vbroadcast v21, $0x0;
	v21 =	vmov s20  }
0x25: {  	s10 =	ssub.s32 $0x2, s3;
	s2 =	simm.s32 $0x0;
	v34 =	vbroadcast v31, $0x0;
	v35 =	vbroadcast v32, $0x0;
	s6 =	rddreg [dreg:$0x1];
	v21 =	vmul.u32 $0x3E8, v21  }
0x26: {  	s24 =	sshrl.u32 s10, $0x1;
	[smem:$0x7FF] =	sst s2;
	v16 =	vadd.s32 v29, v16;
	v24 =	vadd.s32 v29, v19;
	v28 =	vadd.s32 v29, v28;
	s16 =	sadd.s32 s6, s25  }
0x27: {  	v31 =	vadd.s32 v29, v30;
	s5 =	rddreg [dreg:$0x0];
	_ =	strace $0x80000047;
	s8 =	sor.u32 $0x180, s4;
	v19 =	vadd.s32 v29, v20;
	v20 =	vbroadcast v21, $0x0  }
0x28: {  	[tilespmem:s2], [sflag:$0x2] =	stream.linear.gather [hbm4b:s16+s2], $0x200, $0x38;
	v21 =	vbroadcast v22, $0x0;
	v22 =	vbroadcast v23, $0x0;
	v23 =	vmov s8;
	[tilespmem:$0x600] =	vst v63  }
0x29: {  	v27 =	vadd.s32 v29, v27;
	v30 =	vadd.s32 v29, v34;
	s8 =	ssub.s32 s10, s24;
	v26 =	vmul.u32 $0x3E8, v23  }
0x2a: {  	s26 =	sor.u32 $0x1B0, s4;
	s13 =	simm.s32 $0x500;
	v6 =	vbroadcast v6, $0x0;
	s17 =	smax.u32 s8, $0x1;
	v23 =	vadd.s32 v29, v21;
	v21 =	vmul.u32 $0x3E8, v25  }
0x2b: {  	s15 =	simm.s32 $0x580;
	s4 =	simm.s32 $0x2;
	v25 =	vadd.s32 v29, v22;
	p0 =	sne.s32 s17, $0x1;
	v22 =	vbroadcast v26, $0x0;
	v26 =	vmov s26  }
.Ltmp0:
0x2c: {  	s9 =	simm.s32 $0x280;
	v3 =	vadd.s32 v29, v3;
	_ =	swait.ge [sflag:s4], $0x200;
	v7 =	vbroadcast v7, $0x0;
	v26 =	vmul.u32 $0x3E8, v26;
	(pc) =	sbr.rel @!p0 .LBB2_2-.Ltmp0, $4  }
0x2d: {  	s6 =	simm.s32 $0x400;
	s3 =	sadd.s32 $0x200400, s5;
	v4 =	vadd.s32 v29, v4;
	[sflag:s4] =	ssyncset.done $0x0;
	v2 =	vadd.s32 v29, v2;
	v6 =	vadd.s32 v29, v6  }
0x2e: {  	s5 =	sadd.s32 s7, s25;
	s7 =	simm.s32 $0x80;
	[sflag:s4] =	ssyncadd.s32 $0xFFFFFE00;
	v7 =	vadd.s32 v29, v7;
	v21 =	vbroadcast v21, $0x0;
	v33 =	vbroadcast v26, $0x0  }
0x2f: {  	s11 =	simm.s32 $0x300;
	v32 =	vld [tilespmem:$0x130];
	s12 =	simm.s32 $0x1;
	s14 =	simm.s32 $0x380;
	v18 =	vadd.s32 v29, v18;
	v20 =	vadd.s32 v29, v20;
	v26 =	vadd.s32 v29, v22  }
0x30: {  	s10 =	simm.s32 $0x480;
	s8 =	simm.s32 $0x200;
	s17 =	sadd.s32 $0xFFFFFFFF, s17;
	v22 =	vadd.s32 v29, v21;
	v21 =	vadd.s32 v29, v33;
	v29 =	vadd.s32 v29, v35;
	v33 =	vld [tilespmem:$0x1C0]  }
.LBB2_1:
0x31: {  	p0 =	sne.s32 s17, $0x1;
	s17 =	sadd.s32 $0xFFFFFFFF, s17;
	v34 =	vld [tilespmem:$0x1D0]  }
0x32: {  	v35 =	vld [tilespmem:$0x1E0]  }
0x33: {  	v36 =	vld [tilespmem:$0x20]  }
0x34: {  	v37 =	vld [tilespmem:$0x0]  }
0x35: {  	v38 =	vld [tilespmem:$0x40]  }
0x36: {  	v34 =	vadd.s32 v34, v31;
	v39 =	vld [tilespmem:$0x1F0]  }
0x37: {  	v33 =	vadd.s32 v33, v28;
	v40 =	vld [tilespmem:$0x170];
	[tilespmem:$0x3D0] =	vst v34;
	v34 =	vadd.s32 v35, v30  }
0x38: {  	v32 =	vadd.s32 v32, v24;
	v35 =	vadd.s32 v36, v14;
	v36 =	vld [tilespmem:$0x190];
	[tilespmem:$0x3E0] =	vst v34  }
0x39: {  	v34 =	vadd.s32 v37, v8;
	[tilespmem:$0x220] =	vst v35;
	v35 =	vld [tilespmem:$0x180]  }
0x3a: {  	[tilespmem:$0x200] =	vst v34;
	v34 =	vld [tilespmem:$0x80]  }
0x3b: {  	v37 =	vld [tilespmem:$0x50];
	[tilespmem:$0x330] =	vst v32;
	v32 =	vadd.s32 v39, v29  }
0x3c: {  	v39 =	vld [tilespmem:$0x60];
	v40 =	vadd.s32 v40, v25;
	[tilespmem:$0x3C0] =	vst v33  }
0x3d: {  	v33 =	vld [tilespmem:$0x70];
	v36 =	vadd.s32 v36, v27;
	[tilespmem:$0x3F0] =	vst v32  }
0x3e: {  	v32 =	vadd.s32 v38, v3;
	v38 =	vld [tilespmem:$0x160];
	[tilespmem:$0x370] =	vst v40;
	v35 =	vadd.s32 v35, v26  }
0x3f: {  	v40 =	vld [tilespmem:$0x90];
	[tilespmem:$0x390] =	vst v36  }
0x40: {  	v36 =	vadd.s32 v37, v4;
	v37 =	vld [tilespmem:$0x150];
	[tilespmem:$0x380] =	vst v35  }
0x41: {  	[tilespmem:$0x240] =	vst v32;
	v32 =	vadd.s32 v39, v12;
	v35 =	vld [tilespmem:$0xA0]  }
0x42: {  	[tilespmem:$0x250] =	vst v36;
	v33 =	vadd.s32 v33, v9;
	v36 =	vld [tilespmem:$0x140]  }
0x43: {  	v39 =	vld [tilespmem:$0x30];
	[tilespmem:$0x260] =	vst v32;
	v32 =	vadd.s32 v34, v5;
	v34 =	vadd.s32 v38, v23  }
0x44: {  	[tilespmem:$0x270] =	vst v33;
	v33 =	vld [tilespmem:$0xB0]  }
0x45: {  	v38 =	vadd.s32 v40, v2;
	v40 =	vld [tilespmem:$0xC0];
	v37 =	vadd.s32 v37, v20;
	[tilespmem:$0x360] =	vst v34  }
0x46: {  	[tilespmem:$0x280] =	vst v32;
	v32 =	vadd.s32 v35, v13;
	v34 =	vld [tilespmem:$0x120]  }
0x47: {  	v35 =	vld [tilespmem:$0xD0];
	v36 =	vadd.s32 v36, v19;
	[tilespmem:$0x350] =	vst v37  }
0x48: {  	v37 =	vadd.s32 v39, v1;
	[tilespmem:$0x2A0] =	vst v32;
	v32 =	vld [tilespmem:$0x110]  }
0x49: {  	v33 =	vadd.s32 v33, v6;
	v39 =	vld [tilespmem:$0xE0];
	[tilespmem:$0x340] =	vst v36  }
0x4a: {  	[tilespmem:$0x230] =	vst v37;
	v36 =	vadd.s32 v40, v15;
	v37 =	vld [tilespmem:$0x100]  }
0x4b: {  	[tilespmem:$0x2B0] =	vst v33;
	v33 =	vadd.s32 v34, v18  }
0x4c: {  	[tilespmem:$0x2C0] =	vst v36;
	v34 =	vadd.s32 v35, v10;
	v35 =	vld [tilespmem:$0xF0]  }
0x4d: {  	v36 =	vld [tilespmem:$0x10];
	v32 =	vadd.s32 v32, v17;
	[tilespmem:$0x320] =	vst v33  }
0x4e: {  	[tilespmem:$0x2D0] =	vst v34;
	v33 =	vadd.s32 v39, v7;
	v34 =	vld [tilespmem:$0x1A0]  }
0x4f: {  	v37 =	vadd.s32 v37, v16;
	[tilespmem:$0x310] =	vst v32;
	v32 =	vld [tilespmem:$0x1B0]  }
0x50: {  	[tilespmem:$0x2E0] =	vst v33  }
0x51: {  	v33 =	vadd.s32 v35, v11;
	[tilespmem:$0x300] =	vst v37  }
0x52: {  	v35 =	vadd.s32 v36, v0;
	[tilespmem:$0x290] =	vst v38  }
0x53: {  	[tilespmem:$0x2F0] =	vst v33;
	v33 =	vadd.s32 v34, v22  }
0x54: {  	[tilespmem:$0x3A0] =	vst v33;
	v32 =	vadd.s32 v32, v21  }
0x55: {  	[tilespmem:$0x3B0] =	vst v32  }
0x56: {  	[tilespmem:$0x210] =	vst v35  }
0x57: {  	[tilespmem:s6], [sflag:$0x1] =	stream.indirect.gather [hbm4b:s3+s7], $0x1, s8, s7, $0xb8;
	[tilespmem:$0x600] =	vst v63  }
0x58: {  	_ = 	snop  }
0x59: {  	[tilespmem:s10], [sflag:$0x1] =	stream.indirect.gather [hbm4b:s3+s7], $0x1, s9, s7, $0xb8;
	[tilespmem:$0x600] =	vst v63  }
0x5a: {  	_ = 	snop  }
0x5b: {  	[tilespmem:s13], [sflag:$0x1] =	stream.indirect.gather [hbm4b:s3+s7], $0x1, s11, s7, $0xb8;
	[tilespmem:$0x600] =	vst v63  }
0x5c: {  	_ = 	snop  }
0x5d: {  	[tilespmem:s15], [sflag:$0x1] =	stream.indirect.gather [hbm4b:s3+s7], $0x1, s14, s7, $0xb8;
	[tilespmem:$0x600] =	vst v63  }
0x5e: {  	_ =	swait.ge [sflag:s12], $0x80  }
0x5f: {  	[sflag:s12] =	ssyncset.done $0x0  }
0x60: {  	[sflag:s12] =	ssyncadd.s32 $0xFFFFFF80  }
0x61: {  	_ =	swait.ge [sflag:s12], $0x80  }
0x62: {  	[sflag:s12] =	ssyncset.done $0x0  }
0x63: {  	[sflag:s12] =	ssyncadd.s32 $0xFFFFFF80  }
0x64: {  	_ =	swait.ge [sflag:s12], $0x80  }
0x65: {  	[sflag:s12] =	ssyncset.done $0x0  }
0x66: {  	[sflag:s12] =	ssyncadd.s32 $0xFFFFFF80  }
0x67: {  	_ =	swait.ge [sflag:s12], $0x80  }
0x68: {  	[sflag:s12] =	ssyncset.done $0x0  }
0x69: {  	[sflag:s12] =	ssyncadd.s32 $0xFFFFFF80  }
0x6a: {  	[hbm4b:s5+s2] =	stream.linear.scatter [tilespmem:s6], [sflag:$0x2], $0x200, $0x38;
	[tilespmem:$0x600] =	vst v63  }
0x6b: {  	_ =	swait.ge [sflag:s4], $0x200  }
0x6c: {  	[sflag:s4] =	ssyncset.done $0x0  }
0x6d: {  	[sflag:s4] =	ssyncadd.s32 $0xFFFFFE00  }
0x6e: {  	[tilespmem:s2], [sflag:$0x2] =	stream.linear.gather [hbm4b:s16+s2], $0x200, $0x38;
	[tilespmem:$0x600] =	vst v63  }
.Ltmp1:
0x6f: {  	_ =	swait.ge [sflag:s4], $0x200;
	(pc) =	sbr.rel @p0 .LBB2_1-.Ltmp1, $4  }
0x70: {  	[sflag:s4] =	ssyncset.done $0x0  }
0x71: {  	[sflag:s4] =	ssyncadd.s32 $0xFFFFFE00  }
0x72: {  	v32 =	vld [tilespmem:$0x130]  }
0x73: {  	v33 =	vld [tilespmem:$0x1C0]  }
.LBB2_2:
0x74: {  	v34 =	vld [tilespmem:$0x1D0]  }
0x75: {  	v35 =	vld [tilespmem:$0x1E0]  }
0x76: {  	v36 =	vld [tilespmem:$0x20]  }
0x77: {  	v37 =	vld [tilespmem:$0x0];
	v61 =	vadd.s32 v32, v24  }
0x78: {  	v58 =	vld [tilespmem:$0x1F0];
	v28 =	vadd.s32 v33, v28;
	[tilespmem:$0x330] =	vst v61  }
0x79: {  	v59 =	vld [tilespmem:$0x170];
	v31 =	vadd.s32 v34, v31;
	[tilespmem:$0x3C0] =	vst v28  }
0x7a: {  	v60 =	vld [tilespmem:$0x190];
	v30 =	vadd.s32 v35, v30;
	[tilespmem:$0x3D0] =	vst v31  }
0x7b: {  	v62 =	vld [tilespmem:$0x180];
	v14 =	vadd.s32 v36, v14;
	[tilespmem:$0x3E0] =	vst v30  }
0x7c: {  	v63 =	vld [tilespmem:$0x40];
	v8 =	vadd.s32 v37, v8;
	[tilespmem:$0x220] =	vst v14  }
0x7d: {  	v39 =	vld [tilespmem:$0xA0];
	v29 =	vadd.s32 v58, v29;
	[tilespmem:$0x200] =	vst v8  }
0x7e: {  	v42 =	vld [tilespmem:$0x30];
	v25 =	vadd.s32 v59, v25;
	[tilespmem:$0x3F0] =	vst v29  }
0x7f: {  	v45 =	vld [tilespmem:$0xB0];
	v27 =	vadd.s32 v60, v27;
	[tilespmem:$0x370] =	vst v25  }
0x80: {  	v46 =	vld [tilespmem:$0xC0];
	v24 =	vadd.s32 v62, v26;
	[tilespmem:$0x390] =	vst v27  }
0x81: {  	v48 =	vld [tilespmem:$0x120];
	v3 =	vadd.s32 v63, v3;
	[tilespmem:$0x380] =	vst v24  }
0x82: {  	v49 =	vld [tilespmem:$0xD0];
	v47 =	vadd.s32 v39, v13;
	[tilespmem:$0x240] =	vst v3  }
0x83: {  	v54 =	vld [tilespmem:$0x100];
	v1 =	vadd.s32 v42, v1;
	[tilespmem:$0x2A0] =	vst v47  }
0x84: {  	v55 =	vld [tilespmem:$0x90];
	v51 =	vadd.s32 v45, v6;
	[tilespmem:$0x230] =	vst v1  }
0x85: {  	v50 =	vld [tilespmem:$0x110];
	v53 =	vadd.s32 v46, v15;
	[tilespmem:$0x2B0] =	vst v51  }
0x86: {  	v32 =	vld [tilespmem:$0x50];
	v56 =	vadd.s32 v48, v18;
	[tilespmem:$0x2C0] =	vst v53  }
0x87: {  	v33 =	vld [tilespmem:$0x60];
	v57 =	vadd.s32 v49, v10;
	[tilespmem:$0x320] =	vst v56  }
0x88: {  	v61 =	vld [tilespmem:$0x10];
	v6 =	vadd.s32 v54, v16;
	[tilespmem:$0x2D0] =	vst v57  }
0x89: {  	v34 =	vld [tilespmem:$0x70];
	v2 =	vadd.s32 v55, v2;
	[tilespmem:$0x300] =	vst v6  }
0x8a: {  	v35 =	vld [tilespmem:$0x160];
	v3 =	vadd.s32 v50, v17;
	[tilespmem:$0x290] =	vst v2  }
0x8b: {  	v36 =	vld [tilespmem:$0x80];
	[tilespmem:$0x310] =	vst v3;
	v4 =	vadd.s32 v32, v4  }
0x8c: {  	v37 =	vld [tilespmem:$0x150];
	v38 =	vadd.s32 v33, v12;
	[tilespmem:$0x250] =	vst v4  }
0x8d: {  	v41 =	vld [tilespmem:$0x140];
	v0 =	vadd.s32 v61, v0;
	[tilespmem:$0x260] =	vst v38  }
0x8e: {  	v52 =	vld [tilespmem:$0xE0];
	v40 =	vadd.s32 v34, v9;
	[tilespmem:$0x210] =	vst v0  }
0x8f: {  	v58 =	vld [tilespmem:$0xF0];
	v43 =	vadd.s32 v35, v23;
	[tilespmem:$0x270] =	vst v40  }
0x90: {  	v59 =	vld [tilespmem:$0x1A0];
	v44 =	vadd.s32 v36, v5;
	[tilespmem:$0x360] =	vst v43  }
0x91: {  	v60 =	vld [tilespmem:$0x1B0];
	v8 =	vadd.s32 v37, v20;
	[tilespmem:$0x280] =	vst v44  }
0x92: {  	v9 =	vadd.s32 v41, v19;
	[tilespmem:$0x350] =	vst v8  }
0x93: {  	v5 =	vadd.s32 v52, v7;
	[tilespmem:$0x340] =	vst v9  }
0x94: {  	v62 =	vadd.s32 v58, v11;
	[tilespmem:$0x2E0] =	vst v5  }
0x95: {  	v1 =	vadd.s32 v59, v22;
	[tilespmem:$0x2F0] =	vst v62  }
0x96: {  	v63 =	vadd.s32 v60, v21;
	[tilespmem:$0x3A0] =	vst v1  }
0x97: {  	[tilespmem:$0x3B0] =	vst v63  }
0x98: {  	[tilespmem:s6], [sflag:$0x1] =	stream.indirect.gather [hbm4b:s3+s7], $0x1, s8, s7, $0xb8;
	[tilespmem:$0x600] =	vst v63  }
0x99: {  	_ = 	snop  }
0x9a: {  	[tilespmem:s10], [sflag:$0x1] =	stream.indirect.gather [hbm4b:s3+s7], $0x1, s9, s7, $0xb8;
	[tilespmem:$0x600] =	vst v63  }
0x9b: {  	_ = 	snop  }
0x9c: {  	[tilespmem:s13], [sflag:$0x1] =	stream.indirect.gather [hbm4b:s3+s7], $0x1, s11, s7, $0xb8;
	[tilespmem:$0x600] =	vst v63  }
0x9d: {  	_ = 	snop  }
0x9e: {  	[tilespmem:s15], [sflag:$0x1] =	stream.indirect.gather [hbm4b:s3+s7], $0x1, s14, s7, $0xb8;
	[tilespmem:$0x600] =	vst v63  }
0x9f: {  	_ =	swait.ge [sflag:s12], $0x80  }
0xa0: {  	[sflag:s12] =	ssyncset.done $0x0  }
0xa1: {  	[sflag:s12] =	ssyncadd.s32 $0xFFFFFF80  }
0xa2: {  	_ =	swait.ge [sflag:s12], $0x80  }
0xa3: {  	[sflag:s12] =	ssyncset.done $0x0  }
0xa4: {  	[sflag:s12] =	ssyncadd.s32 $0xFFFFFF80  }
0xa5: {  	_ =	swait.ge [sflag:s12], $0x80  }
0xa6: {  	[sflag:s12] =	ssyncset.done $0x0  }
0xa7: {  	[sflag:s12] =	ssyncadd.s32 $0xFFFFFF80  }
0xa8: {  	_ =	swait.ge [sflag:s12], $0x80  }
0xa9: {  	[sflag:s12] =	ssyncset.done $0x0  }
0xaa: {  	[sflag:s12] =	ssyncadd.s32 $0xFFFFFF80  }
0xab: {  	[hbm4b:s5+s2] =	stream.linear.scatter [tilespmem:s6], [sflag:$0x2], $0x200, $0x38;
	[tilespmem:$0x600] =	vst v63  }
0xac: {  	_ =	swait.ge [sflag:s4], $0x200  }
0xad: {  	[sflag:s4] =	ssyncset.done $0x0  }
0xae: {  	[sflag:s4] =	ssyncadd.s32 $0xFFFFFE00  }
0xaf: {  	_ =	sfence.sel $0x180000  }
0xb0: {  	[bflag:$0x0] =	sbarrier.arrive $0xFFFF  }
0xb1: {  	p0 =	sne.s32 s0, $0x0;
	_ =	strace $0x90000047  }
0xb2: {  	s0 =	sadd.s32 @!p0 $0x100000, s1;
	[bflag:$0x2] =	sbarrier.arrive $0xFFFF  }
0xb3: {  	[sflag:s0] =	ssyncadd.tile.s32 @!p0 $0x1;
	_ =	shalt  }
.Lfunc_end2:
_tile_overlayer_lowered:
.L_overlay_start_2:
0xb4: {  	(tag) =	ssettag $0x2  }
0xb5: {  	s0 =	rddreg [dreg:$0x0];
	s2 =	stileid.u32  }
0xb6: {  	s1 =	rddreg [dreg:$0x1];
	p0 =	sne.s32 s2, $0x0  }
0xb7: {  	s3 =	rddreg [dreg:$0x2];
	[bflag:$0x3] =	sbarrier.arrive $0xFFFF;
	s2 =	simm.s32 @!p0 $0x1C02  }
0xb8: {  	[timem:s3], [sflag:s2] =	dma.local @!p0 [hbm:s0], s1  }
0xb9: {  	s0 =	simm.s32 @!p0 $0x2  }
0xba: {  	_ =	swait.ge @!p0 [sflag:s0], s1  }
0xbb: {  	s1 =	ssub.s32 @!p0 $0x0, s1;
	[sflag:s0] =	ssyncset.done @!p0 $0x0  }
0xbc: {  	[sflag:s0] =	ssyncadd.s32 @!p0 s1  }
0xbd: {  	[bflag:$0x3] =	sbarrier.arrive $0xFFFF  }
0xbe: {  	_ =	shalt  }

</sc_bundles>
